<compile_context>
chip_gen: v7x
topology: tpu7x:2x2x1
jax: 0.10.2.dev20260603
libtpu: 0.0.44.dev20260713+nightly
codegen_flags: <defaults>
</compile_context>

<pallas_src>
import functools

import jax
import jax.numpy as jnp
from jax import lax
from jax.experimental import pallas as pl
from jax.experimental.pallas import tpu as pltpu
from jax.experimental.pallas import tpu_sc as plsc

_NUM_CB = 4
_K = 1024
_D = 64
_N = 16384
_TB = 2048
_BETA = 0.25
_NBLK = _N // _TB


def _argmin_idx(residual, ncb, w2row):
    rw = lax.dot_general(residual, ncb, (((1,), (1,)), ((), ())),
                         preferred_element_type=jnp.float32)
    rsq = jnp.sum(residual * residual, axis=1, keepdims=True)
    d = (rsq + w2row) + rw
    dmin = jnp.min(d, axis=1, keepdims=True)
    iota = lax.broadcasted_iota(jnp.int32, (_TB, _K), 1)
    return jnp.min(jnp.where(d <= dmin, iota, _K), axis=1, keepdims=True)


def _rot_dist_block(xb_ref, rot_ref, ncb_ref, w2_ref, r_ref, idx_ref):
    xt = jnp.concatenate(
        [jnp.transpose(xb_ref[b], (1, 0)) for b in range(_TB // 1024)],
        axis=0)
    r = lax.dot_general(xt, rot_ref[...], (((1,), (0,)), ((), ())),
                        preferred_element_type=jnp.float32)
    r_ref[...] = r
    idx_ref[...] = _argmin_idx(r, ncb_ref[...], w2_ref[...])


def _dist_block(rin_ref, q_ref, ncb_ref, w2_ref, r_ref, idx_ref):
    residual = rin_ref[...] - q_ref[...]
    r_ref[...] = residual
    idx_ref[...] = _argmin_idx(residual, ncb_ref[...], w2_ref[...])


def _final_block(xraw_ref, q0_ref, q1_ref, q2_ref, q3_ref,
                 i0_ref, i1_ref, i2_ref, i3_ref, out_ref, part_ref):
    qsum = ((q0_ref[...] + q1_ref[...]) + q2_ref[...]) + q3_ref[...]
    xraw = xraw_ref[...]
    out_ref[...] = xraw + (qsum - xraw)

    idxs = [i0_ref[...], i1_ref[...], i2_ref[...], i3_ref[...]]
    ent = jnp.zeros((_TB, 1), jnp.float32)
    for j in range(_NUM_CB):
        m = jnp.zeros((_TB, 1), jnp.float32)
        for k in range(_NUM_CB):
            m = m + (idxs[j] == idxs[k]).astype(jnp.float32)
        ent = ent - 0.25 * jnp.log(m * 0.25 + 1e-10)
    ent_sum = jnp.sum(ent)

    diff = qsum - xraw
    sq_sum = jnp.sum(diff * diff)

    lane = lax.broadcasted_iota(jnp.int32, (1, 128), 1)
    row = jnp.where(lane == 0, sq_sum, jnp.where(lane == 1, ent_sum, 0.0))
    part_ref[...] = row.reshape(1, 1, 128)


def _tc_rot_dist(xb, rot, ncb0, w20):
    return pl.pallas_call(
        _rot_dist_block,
        grid=(_NBLK,),
        in_specs=[
            pl.BlockSpec((_TB // 1024, _D, 1024), lambda i: (i, 0, 0)),
            pl.BlockSpec((_D, _D), lambda i: (0, 0)),
            pl.BlockSpec((_K, _D), lambda i: (0, 0)),
            pl.BlockSpec((1, _K), lambda i: (0, 0)),
        ],
        out_specs=[
            pl.BlockSpec((_TB, _D), lambda i: (i, 0)),
            pl.BlockSpec((_TB, 1), lambda i: (i, 0)),
        ],
        out_shape=[
            jax.ShapeDtypeStruct((_N, _D), jnp.float32),
            jax.ShapeDtypeStruct((_N, 1), jnp.int32),
        ],
    )(xb, rot, ncb0, w20)


def _tc_dist(rin, q, ncbi, w2i):
    return pl.pallas_call(
        _dist_block,
        grid=(_NBLK,),
        in_specs=[
            pl.BlockSpec((_TB, _D), lambda i: (i, 0)),
            pl.BlockSpec((_TB, _D), lambda i: (i, 0)),
            pl.BlockSpec((_K, _D), lambda i: (0, 0)),
            pl.BlockSpec((1, _K), lambda i: (0, 0)),
        ],
        out_specs=[
            pl.BlockSpec((_TB, _D), lambda i: (i, 0)),
            pl.BlockSpec((_TB, 1), lambda i: (i, 0)),
        ],
        out_shape=[
            jax.ShapeDtypeStruct((_N, _D), jnp.float32),
            jax.ShapeDtypeStruct((_N, 1), jnp.int32),
        ],
    )(rin, q, ncbi, w2i)


def _tc_final(xraw, qs, idxs):
    return pl.pallas_call(
        _final_block,
        grid=(_NBLK,),
        in_specs=(
            [pl.BlockSpec((_TB, _D), lambda i: (i, 0))] * 5
            + [pl.BlockSpec((_TB, 1), lambda i: (i, 0))] * 4
        ),
        out_specs=[
            pl.BlockSpec((_TB, _D), lambda i: (i, 0)),
            pl.BlockSpec((1, 1, 128), lambda i: (i, 0, 0)),
        ],
        out_shape=[
            jax.ShapeDtypeStruct((_N, _D), jnp.float32),
            jax.ShapeDtypeStruct((_NBLK, 1, 128), jnp.float32),
        ],
    )(xraw, *qs, *idxs)


def _make_sc_gather():
    info = plsc.get_sparse_core_info()
    nw = info.num_cores * info.num_subcores
    b_per_w = _N // nw
    chunks = b_per_w // 128
    mesh = plsc.VectorSubcoreMesh(core_axis_name="c", subcore_axis_name="s")

    @functools.partial(
        pl.kernel, mesh=mesh,
        compiler_params=pltpu.CompilerParams(use_tc_tiling_on_sc=False),
        out_type=jax.ShapeDtypeStruct((_N, _D), jnp.float32),
        scratch_types=[
            pltpu.VMEM((chunks, 128), jnp.int32),
            pltpu.VMEM((b_per_w, _D), jnp.float32),
            pltpu.SemaphoreType.DMA,
        ],
    )
    def g(cb_hbm, idx_hbm, out_hbm, idx_v, rows_v, sem):
        wid = lax.axis_index("s") * info.num_cores + lax.axis_index("c")
        pltpu.sync_copy(idx_hbm.at[pl.ds(wid * chunks, chunks)], idx_v)
        for j in range(chunks):
            pltpu.async_copy(cb_hbm.at[idx_v.at[j]],
                             rows_v.at[pl.ds(j * 128, 128)], sem).wait()
        pltpu.sync_copy(rows_v, out_hbm.at[pl.ds(wid * b_per_w, b_per_w)])

    return g


def kernel(x, rotation_matrix, codebooks):
    B, C, H, W = x.shape
    xb = x.reshape(B, C, H * W)
    xraw = x.reshape(_N, _D)
    w2 = jnp.sum(codebooks * codebooks, axis=-1)[:, None, :]
    ncb = codebooks * jnp.float32(-2.0)
    sc_gather = _make_sc_gather()

    qs, idxs = [], []
    r, idx0 = _tc_rot_dist(xb, rotation_matrix, ncb[0], w2[0])
    idx = idx0
    for i in range(_NUM_CB):
        q = sc_gather(codebooks[i], idx.reshape(128, 128))
        qs.append(q)
        idxs.append(idx)
        if i + 1 < _NUM_CB:
            r, idx = _tc_dist(r, q, ncb[i + 1], w2[i + 1])

    qout, part = _tc_final(xraw, qs, idxs)
    sq_sum = jnp.sum(part[:, 0, 0])
    ent_sum = jnp.sum(part[:, 0, 1])
    loss = (1.0 + _BETA) * sq_sum / jnp.float32(x.size)
    perplexity = jnp.exp(ent_sum)
    quant_out = qout.reshape(x.shape)
    return loss, quant_out, perplexity

# --- scband reference (transcript-rebuilt; emitter-appended) ---
"""Pipeline reference for scband-residual-quantizer-67499706024644 (READ-ONLY COPY).

The authoritative reference and input builder live on the scoring server;
editing this copy changes nothing except your own understanding.
"""

import jax, jax.numpy as jnp
import numpy as np

NUM_CODEBOOKS = 4
CODEBOOK_SIZE = 1024
LATENT_DIM = 64
BETA = 0.25


def _hadamard(n):
    H = np.array([[1.0]])
    while H.shape[0] < n:
        H = np.block([[H, H], [H, -H]])
    return H


def setup_inputs(seed: int = 0):
    key = jax.random.key(seed)
    k1, k2 = jax.random.split(key)
    x = jax.random.normal(k1, (16, LATENT_DIM, 32, 32), dtype=jnp.float32)
    codebooks = jax.random.uniform(k2, (NUM_CODEBOOKS, CODEBOOK_SIZE, LATENT_DIM), dtype=jnp.float32, minval=-1.0 / CODEBOOK_SIZE, maxval=1.0 / CODEBOOK_SIZE)
    rotation_matrix = jnp.asarray(_hadamard(LATENT_DIM), dtype=jnp.float32)
    return {"x": x, "rotation_matrix": rotation_matrix, "codebooks": codebooks}


def reference(x, rotation_matrix, codebooks):
    B, C, H, W = x.shape
    x_channel_last = jnp.transpose(x, (0, 2, 3, 1))
    x_flattened = x_channel_last.reshape(B * H * W, LATENT_DIM)
    x_rotated = x_flattened @ rotation_matrix
    residual = x_rotated
    quantized_outputs = []
    encoding_list = []
    encoding_index_list = []
    for i in range(NUM_CODEBOOKS):
        Wcb = codebooks[i]
        distances = (jnp.sum(residual ** 2, axis=-1, keepdims=True)
                     + jnp.sum(Wcb ** 2, axis=-1)[None, :]
                     - 2.0 * (residual @ Wcb.T))
        encoding_indices = jnp.argmin(distances, axis=1)
        encodings = jax.nn.one_hot(encoding_indices, CODEBOOK_SIZE, dtype=jnp.float32)
        quantized = encodings @ Wcb
        quantized = jax.lax.stop_gradient(quantized)
        encodings = jax.lax.stop_gradient(encodings)
        quantized_outputs.append(quantized)
        encoding_list.append(encodings)
        encoding_index_list.append(encoding_indices)
        residual = residual - quantized
    quant_out = jnp.stack(quantized_outputs, axis=0).sum(axis=0).reshape(x.shape)
    commitment_loss = BETA * jnp.mean((jax.lax.stop_gradient(quant_out) - x) ** 2)
    codebook_loss = jnp.mean((quant_out - jax.lax.stop_gradient(x)) ** 2)
    avg_probs = jnp.mean(jnp.stack(encoding_list, axis=0), axis=0)
    perplexity = jnp.exp(-jnp.sum(avg_probs * jnp.log(avg_probs + 1e-10)))
    loss = codebook_loss + commitment_loss
    quant_out = x + jax.lax.stop_gradient(quant_out - x)
    return (loss, quant_out, perplexity)

if __name__ == "__main__":
    import jax
    _d = setup_inputs()
    print(jax.jit(kernel)(*tuple(_d.values())))

</pallas_src>

<mosaic_0001>
#map = affine_map<(d0, d1) -> (0, 0)>
module attributes {stable_mosaic.version = 14 : i64} {
  func.func @g(%arg0: i32, %arg1: i32, %arg2: memref<1024x64xf32, #tpu.memory_space<hbm>>, %arg3: memref<128x128xi32, #tpu.memory_space<hbm>>, %arg4: memref<16384x64xf32, #tpu.memory_space<hbm>>, %arg5: memref<4x128xi32, #tpu.memory_space<vmem>>, %arg6: memref<512x64xf32, #tpu.memory_space<vmem>>, %arg7: memref<!tpu.dma_semaphore, #tpu.memory_space<semaphore_mem>>) attributes {dimension_semantics = [#tpu.dimension_semantics<core_parallel>, #tpu.dimension_semantics<subcore_parallel>], iteration_bounds = array<i64: 2, 16>, scalar_prefetch = 0 : i64, scratch_operands = 3 : i64, tpu.core_type = #tpu.core_type<sc_vector_subcore>, window_params = [{transform_indices = #map}, {transform_indices = #map}, {transform_indices = #map}]} {
    %mul3A = arith.constant 2 : i32
    %mul3A_0 = arith.muli %arg1, %mul3A : i32
    %add3A = arith.addi %mul3A_0, %arg0 : i32
    %mul3A_1 = arith.constant 4 : i32
    %mul3A_2 = arith.muli %add3A, %mul3A_1 : i32
    "tpu.region"() ({
      %run_scoped3A = tpu.sem_alloc : memref<!tpu.dma_semaphore, #tpu.memory_space<semaphore_mem>>
      %dma_start3A_83 = arith.constant 0 : i32
      %dma_start3A_84 = tpu.memref_slice %arg3[%mul3A_2, %dma_start3A_83] : memref<128x128xi32, #tpu.memory_space<hbm>> -> memref<4x128xi32, #tpu.memory_space<hbm>>
      %dma_start3A_85 = arith.constant 0 : i32
      %dma_start3A_86 = tpu.memref_slice %arg3[%mul3A_2, %dma_start3A_85] : memref<128x128xi32, #tpu.memory_space<hbm>> -> memref<4x128xi32, #tpu.memory_space<hbm>>
      tpu.enqueue_dma source(%dma_start3A_86 : memref<4x128xi32, #tpu.memory_space<hbm>>) target(%arg5 : memref<4x128xi32, #tpu.memory_space<vmem>>) target_semaphore(%run_scoped3A : memref<!tpu.dma_semaphore, #tpu.memory_space<semaphore_mem>>)
      %dma_wait3A_87 = arith.constant 0 : i32
      %dma_wait3A_88 = tpu.memref_slice %arg3[%mul3A_2, %dma_wait3A_87] : memref<128x128xi32, #tpu.memory_space<hbm>> -> memref<4x128xi32, #tpu.memory_space<hbm>>
      %dma_wait3A_89 = arith.constant 0 : i32
      %dma_wait3A_90 = tpu.memref_slice %arg3[%mul3A_2, %dma_wait3A_89] : memref<128x128xi32, #tpu.memory_space<hbm>> -> memref<4x128xi32, #tpu.memory_space<hbm>>
      tpu.wait_dma2 semaphore(%run_scoped3A : memref<!tpu.dma_semaphore, #tpu.memory_space<semaphore_mem>>) src(%dma_wait3A_90 : memref<4x128xi32, #tpu.memory_space<hbm>>) dst(%arg5 : memref<4x128xi32, #tpu.memory_space<vmem>>)
      tpu.yield
    }) : () -> ()
    %dma_start3A = arith.constant 0 : i32
    %dma_start3A_3 = arith.constant 0 : i32
    %dma_start3A_4 = arith.constant 0 : i32
    %dma_start3A_5 = tpu.memref_slice %arg6[%dma_start3A_3, %dma_start3A_4] : memref<512x64xf32, #tpu.memory_space<vmem>> -> memref<128x64xf32, #tpu.memory_space<vmem>>
    %dma_start3A_6 = arith.constant 0 : i32
    %dma_start3A_7 = tpu.memref_slice %arg5[%dma_start3A, %dma_start3A_6] : memref<4x128xi32, #tpu.memory_space<vmem>> -> memref<1x128xi32, #tpu.memory_space<vmem>>
    %dma_start3A_8 = tpu.memref_squeeze %dma_start3A_7 : memref<1x128xi32, #tpu.memory_space<vmem>> -> memref<128xi32, #tpu.memory_space<vmem>>
    %dma_start3A_9 = arith.constant 0 : i32
    %dma_start3A_10 = arith.constant 0 : i32
    %dma_start3A_11 = tpu.memref_slice %arg2[%dma_start3A_9, %dma_start3A_10] : memref<1024x64xf32, #tpu.memory_space<hbm>> -> memref<1024x64xf32, #tpu.memory_space<hbm>>
    tpu.enqueue_indirect_dma source(%dma_start3A_11 : memref<1024x64xf32, #tpu.memory_space<hbm>>) target(%dma_start3A_5 : memref<128x64xf32, #tpu.memory_space<vmem>>) offsets(%dma_start3A_8 : memref<128xi32, #tpu.memory_space<vmem>>) semaphore(%arg7 : memref<!tpu.dma_semaphore, #tpu.memory_space<semaphore_mem>>)
    %dma_wait3A = arith.constant 0 : i32
    %dma_wait3A_12 = arith.constant 0 : i32
    %dma_wait3A_13 = arith.constant 0 : i32
    %dma_wait3A_14 = tpu.memref_slice %arg6[%dma_wait3A_12, %dma_wait3A_13] : memref<512x64xf32, #tpu.memory_space<vmem>> -> memref<128x64xf32, #tpu.memory_space<vmem>>
    %dma_wait3A_15 = arith.constant 0 : i32
    %dma_wait3A_16 = tpu.memref_slice %arg5[%dma_wait3A, %dma_wait3A_15] : memref<4x128xi32, #tpu.memory_space<vmem>> -> memref<1x128xi32, #tpu.memory_space<vmem>>
    %dma_wait3A_17 = tpu.memref_squeeze %dma_wait3A_16 : memref<1x128xi32, #tpu.memory_space<vmem>> -> memref<128xi32, #tpu.memory_space<vmem>>
    %dma_wait3A_18 = arith.constant 0 : i32
    %dma_wait3A_19 = arith.constant 0 : i32
    %dma_wait3A_20 = tpu.memref_slice %arg2[%dma_wait3A_18, %dma_wait3A_19] : memref<1024x64xf32, #tpu.memory_space<hbm>> -> memref<1024x64xf32, #tpu.memory_space<hbm>>
    tpu.wait_indirect_dma semaphore(%arg7 : memref<!tpu.dma_semaphore, #tpu.memory_space<semaphore_mem>>) src(%dma_wait3A_20 : memref<1024x64xf32, #tpu.memory_space<hbm>>) dst(%dma_wait3A_14 : memref<128x64xf32, #tpu.memory_space<vmem>>)
    %dma_start3A_21 = arith.constant 1 : i32
    %dma_start3A_22 = arith.constant 128 : i32
    %dma_start3A_23 = arith.constant 0 : i32
    %dma_start3A_24 = tpu.memref_slice %arg6[%dma_start3A_22, %dma_start3A_23] : memref<512x64xf32, #tpu.memory_space<vmem>> -> memref<128x64xf32, #tpu.memory_space<vmem>>
    %dma_start3A_25 = arith.constant 0 : i32
    %dma_start3A_26 = tpu.memref_slice %arg5[%dma_start3A_21, %dma_start3A_25] : memref<4x128xi32, #tpu.memory_space<vmem>> -> memref<1x128xi32, #tpu.memory_space<vmem>>
    %dma_start3A_27 = tpu.memref_squeeze %dma_start3A_26 : memref<1x128xi32, #tpu.memory_space<vmem>> -> memref<128xi32, #tpu.memory_space<vmem>>
    %dma_start3A_28 = arith.constant 0 : i32
    %dma_start3A_29 = arith.constant 0 : i32
    %dma_start3A_30 = tpu.memref_slice %arg2[%dma_start3A_28, %dma_start3A_29] : memref<1024x64xf32, #tpu.memory_space<hbm>> -> memref<1024x64xf32, #tpu.memory_space<hbm>>
    tpu.enqueue_indirect_dma source(%dma_start3A_30 : memref<1024x64xf32, #tpu.memory_space<hbm>>) target(%dma_start3A_24 : memref<128x64xf32, #tpu.memory_space<vmem>>) offsets(%dma_start3A_27 : memref<128xi32, #tpu.memory_space<vmem>>) semaphore(%arg7 : memref<!tpu.dma_semaphore, #tpu.memory_space<semaphore_mem>>)
    %dma_wait3A_31 = arith.constant 1 : i32
    %dma_wait3A_32 = arith.constant 128 : i32
    %dma_wait3A_33 = arith.constant 0 : i32
    %dma_wait3A_34 = tpu.memref_slice %arg6[%dma_wait3A_32, %dma_wait3A_33] : memref<512x64xf32, #tpu.memory_space<vmem>> -> memref<128x64xf32, #tpu.memory_space<vmem>>
    %dma_wait3A_35 = arith.constant 0 : i32
    %dma_wait3A_36 = tpu.memref_slice %arg5[%dma_wait3A_31, %dma_wait3A_35] : memref<4x128xi32, #tpu.memory_space<vmem>> -> memref<1x128xi32, #tpu.memory_space<vmem>>
    %dma_wait3A_37 = tpu.memref_squeeze %dma_wait3A_36 : memref<1x128xi32, #tpu.memory_space<vmem>> -> memref<128xi32, #tpu.memory_space<vmem>>
    %dma_wait3A_38 = arith.constant 0 : i32
    %dma_wait3A_39 = arith.constant 0 : i32
    %dma_wait3A_40 = tpu.memref_slice %arg2[%dma_wait3A_38, %dma_wait3A_39] : memref<1024x64xf32, #tpu.memory_space<hbm>> -> memref<1024x64xf32, #tpu.memory_space<hbm>>
    tpu.wait_indirect_dma semaphore(%arg7 : memref<!tpu.dma_semaphore, #tpu.memory_space<semaphore_mem>>) src(%dma_wait3A_40 : memref<1024x64xf32, #tpu.memory_space<hbm>>) dst(%dma_wait3A_34 : memref<128x64xf32, #tpu.memory_space<vmem>>)
    %dma_start3A_41 = arith.constant 2 : i32
    %dma_start3A_42 = arith.constant 256 : i32
    %dma_start3A_43 = arith.constant 0 : i32
    %dma_start3A_44 = tpu.memref_slice %arg6[%dma_start3A_42, %dma_start3A_43] : memref<512x64xf32, #tpu.memory_space<vmem>> -> memref<128x64xf32, #tpu.memory_space<vmem>>
    %dma_start3A_45 = arith.constant 0 : i32
    %dma_start3A_46 = tpu.memref_slice %arg5[%dma_start3A_41, %dma_start3A_45] : memref<4x128xi32, #tpu.memory_space<vmem>> -> memref<1x128xi32, #tpu.memory_space<vmem>>
    %dma_start3A_47 = tpu.memref_squeeze %dma_start3A_46 : memref<1x128xi32, #tpu.memory_space<vmem>> -> memref<128xi32, #tpu.memory_space<vmem>>
    %dma_start3A_48 = arith.constant 0 : i32
    %dma_start3A_49 = arith.constant 0 : i32
    %dma_start3A_50 = tpu.memref_slice %arg2[%dma_start3A_48, %dma_start3A_49] : memref<1024x64xf32, #tpu.memory_space<hbm>> -> memref<1024x64xf32, #tpu.memory_space<hbm>>
    tpu.enqueue_indirect_dma source(%dma_start3A_50 : memref<1024x64xf32, #tpu.memory_space<hbm>>) target(%dma_start3A_44 : memref<128x64xf32, #tpu.memory_space<vmem>>) offsets(%dma_start3A_47 : memref<128xi32, #tpu.memory_space<vmem>>) semaphore(%arg7 : memref<!tpu.dma_semaphore, #tpu.memory_space<semaphore_mem>>)
    %dma_wait3A_51 = arith.constant 2 : i32
    %dma_wait3A_52 = arith.constant 256 : i32
    %dma_wait3A_53 = arith.constant 0 : i32
    %dma_wait3A_54 = tpu.memref_slice %arg6[%dma_wait3A_52, %dma_wait3A_53] : memref<512x64xf32, #tpu.memory_space<vmem>> -> memref<128x64xf32, #tpu.memory_space<vmem>>
    %dma_wait3A_55 = arith.constant 0 : i32
    %dma_wait3A_56 = tpu.memref_slice %arg5[%dma_wait3A_51, %dma_wait3A_55] : memref<4x128xi32, #tpu.memory_space<vmem>> -> memref<1x128xi32, #tpu.memory_space<vmem>>
    %dma_wait3A_57 = tpu.memref_squeeze %dma_wait3A_56 : memref<1x128xi32, #tpu.memory_space<vmem>> -> memref<128xi32, #tpu.memory_space<vmem>>
    %dma_wait3A_58 = arith.constant 0 : i32
    %dma_wait3A_59 = arith.constant 0 : i32
    %dma_wait3A_60 = tpu.memref_slice %arg2[%dma_wait3A_58, %dma_wait3A_59] : memref<1024x64xf32, #tpu.memory_space<hbm>> -> memref<1024x64xf32, #tpu.memory_space<hbm>>
    tpu.wait_indirect_dma semaphore(%arg7 : memref<!tpu.dma_semaphore, #tpu.memory_space<semaphore_mem>>) src(%dma_wait3A_60 : memref<1024x64xf32, #tpu.memory_space<hbm>>) dst(%dma_wait3A_54 : memref<128x64xf32, #tpu.memory_space<vmem>>)
    %dma_start3A_61 = arith.constant 3 : i32
    %dma_start3A_62 = arith.constant 384 : i32
    %dma_start3A_63 = arith.constant 0 : i32
    %dma_start3A_64 = tpu.memref_slice %arg6[%dma_start3A_62, %dma_start3A_63] : memref<512x64xf32, #tpu.memory_space<vmem>> -> memref<128x64xf32, #tpu.memory_space<vmem>>
    %dma_start3A_65 = arith.constant 0 : i32
    %dma_start3A_66 = tpu.memref_slice %arg5[%dma_start3A_61, %dma_start3A_65] : memref<4x128xi32, #tpu.memory_space<vmem>> -> memref<1x128xi32, #tpu.memory_space<vmem>>
    %dma_start3A_67 = tpu.memref_squeeze %dma_start3A_66 : memref<1x128xi32, #tpu.memory_space<vmem>> -> memref<128xi32, #tpu.memory_space<vmem>>
    %dma_start3A_68 = arith.constant 0 : i32
    %dma_start3A_69 = arith.constant 0 : i32
    %dma_start3A_70 = tpu.memref_slice %arg2[%dma_start3A_68, %dma_start3A_69] : memref<1024x64xf32, #tpu.memory_space<hbm>> -> memref<1024x64xf32, #tpu.memory_space<hbm>>
    tpu.enqueue_indirect_dma source(%dma_start3A_70 : memref<1024x64xf32, #tpu.memory_space<hbm>>) target(%dma_start3A_64 : memref<128x64xf32, #tpu.memory_space<vmem>>) offsets(%dma_start3A_67 : memref<128xi32, #tpu.memory_space<vmem>>) semaphore(%arg7 : memref<!tpu.dma_semaphore, #tpu.memory_space<semaphore_mem>>)
    %dma_wait3A_71 = arith.constant 3 : i32
    %dma_wait3A_72 = arith.constant 384 : i32
    %dma_wait3A_73 = arith.constant 0 : i32
    %dma_wait3A_74 = tpu.memref_slice %arg6[%dma_wait3A_72, %dma_wait3A_73] : memref<512x64xf32, #tpu.memory_space<vmem>> -> memref<128x64xf32, #tpu.memory_space<vmem>>
    %dma_wait3A_75 = arith.constant 0 : i32
    %dma_wait3A_76 = tpu.memref_slice %arg5[%dma_wait3A_71, %dma_wait3A_75] : memref<4x128xi32, #tpu.memory_space<vmem>> -> memref<1x128xi32, #tpu.memory_space<vmem>>
    %dma_wait3A_77 = tpu.memref_squeeze %dma_wait3A_76 : memref<1x128xi32, #tpu.memory_space<vmem>> -> memref<128xi32, #tpu.memory_space<vmem>>
    %dma_wait3A_78 = arith.constant 0 : i32
    %dma_wait3A_79 = arith.constant 0 : i32
    %dma_wait3A_80 = tpu.memref_slice %arg2[%dma_wait3A_78, %dma_wait3A_79] : memref<1024x64xf32, #tpu.memory_space<hbm>> -> memref<1024x64xf32, #tpu.memory_space<hbm>>
    tpu.wait_indirect_dma semaphore(%arg7 : memref<!tpu.dma_semaphore, #tpu.memory_space<semaphore_mem>>) src(%dma_wait3A_80 : memref<1024x64xf32, #tpu.memory_space<hbm>>) dst(%dma_wait3A_74 : memref<128x64xf32, #tpu.memory_space<vmem>>)
    %mul3A_81 = arith.constant 512 : i32
    %mul3A_82 = arith.muli %add3A, %mul3A_81 : i32
    "tpu.region"() ({
      %run_scoped3A = tpu.sem_alloc : memref<!tpu.dma_semaphore, #tpu.memory_space<semaphore_mem>>
      %dma_start3A_83 = arith.constant 0 : i32
      %dma_start3A_84 = tpu.memref_slice %arg4[%mul3A_82, %dma_start3A_83] : memref<16384x64xf32, #tpu.memory_space<hbm>> -> memref<512x64xf32, #tpu.memory_space<hbm>>
      %dma_start3A_85 = arith.constant 0 : i32
      %dma_start3A_86 = tpu.memref_slice %arg4[%mul3A_82, %dma_start3A_85] : memref<16384x64xf32, #tpu.memory_space<hbm>> -> memref<512x64xf32, #tpu.memory_space<hbm>>
      tpu.enqueue_dma source(%arg6 : memref<512x64xf32, #tpu.memory_space<vmem>>) target(%dma_start3A_86 : memref<512x64xf32, #tpu.memory_space<hbm>>) target_semaphore(%run_scoped3A : memref<!tpu.dma_semaphore, #tpu.memory_space<semaphore_mem>>)
      %dma_wait3A_87 = arith.constant 0 : i32
      %dma_wait3A_88 = tpu.memref_slice %arg4[%mul3A_82, %dma_wait3A_87] : memref<16384x64xf32, #tpu.memory_space<hbm>> -> memref<512x64xf32, #tpu.memory_space<hbm>>
      %dma_wait3A_89 = arith.constant 0 : i32
      %dma_wait3A_90 = tpu.memref_slice %arg4[%mul3A_82, %dma_wait3A_89] : memref<16384x64xf32, #tpu.memory_space<hbm>> -> memref<512x64xf32, #tpu.memory_space<hbm>>
      tpu.wait_dma2 semaphore(%run_scoped3A : memref<!tpu.dma_semaphore, #tpu.memory_space<semaphore_mem>>) src(%arg6 : memref<512x64xf32, #tpu.memory_space<vmem>>) dst(%dma_wait3A_90 : memref<512x64xf32, #tpu.memory_space<hbm>>)
      tpu.yield
    }) : () -> ()
    return
  }
}

#map = affine_map<(d0, d1) -> (0, 0)>
module attributes {stable_mosaic.version = 14 : i64} {
  func.func @g(%arg0: i32, %arg1: i32, %arg2: memref<1024x64xf32, #tpu.memory_space<hbm>>, %arg3: memref<128x128xi32, #tpu.memory_space<hbm>>, %arg4: memref<16384x64xf32, #tpu.memory_space<hbm>>, %arg5: memref<4x128xi32, #tpu.memory_space<vmem>>, %arg6: memref<512x64xf32, #tpu.memory_space<vmem>>, %arg7: memref<!tpu.dma_semaphore, #tpu.memory_space<semaphore_mem>>) attributes {dimension_semantics = [#tpu.dimension_semantics<core_parallel>, #tpu.dimension_semantics<subcore_parallel>], iteration_bounds = array<i64: 2, 16>, scalar_prefetch = 0 : i64, scratch_operands = 3 : i64, tpu.core_type = #tpu.core_type<sc_vector_subcore>, window_params = [{transform_indices = #map}, {transform_indices = #map}, {transform_indices = #map}]} {
    %mul3A = arith.constant 2 : i32
    %mul3A_0 = arith.muli %arg1, %mul3A : i32
    %add3A = arith.addi %mul3A_0, %arg0 : i32
    %mul3A_1 = arith.constant 4 : i32
    %mul3A_2 = arith.muli %add3A, %mul3A_1 : i32
    "tpu.region"() ({
      %run_scoped3A = tpu.sem_alloc : memref<!tpu.dma_semaphore, #tpu.memory_space<semaphore_mem>>
      %dma_start3A_83 = arith.constant 0 : i32
      %dma_start3A_84 = tpu.memref_slice %arg3[%mul3A_2, %dma_start3A_83] : memref<128x128xi32, #tpu.memory_space<hbm>> -> memref<4x128xi32, #tpu.memory_space<hbm>>
      %dma_start3A_85 = arith.constant 0 : i32
      %dma_start3A_86 = tpu.memref_slice %arg3[%mul3A_2, %dma_start3A_85] : memref<128x128xi32, #tpu.memory_space<hbm>> -> memref<4x128xi32, #tpu.memory_space<hbm>>
      tpu.enqueue_dma source(%dma_start3A_86 : memref<4x128xi32, #tpu.memory_space<hbm>>) target(%arg5 : memref<4x128xi32, #tpu.memory_space<vmem>>) target_semaphore(%run_scoped3A : memref<!tpu.dma_semaphore, #tpu.memory_space<semaphore_mem>>)
      %dma_wait3A_87 = arith.constant 0 : i32
      %dma_wait3A_88 = tpu.memref_slice %arg3[%mul3A_2, %dma_wait3A_87] : memref<128x128xi32, #tpu.memory_space<hbm>> -> memref<4x128xi32, #tpu.memory_space<hbm>>
      %dma_wait3A_89 = arith.constant 0 : i32
      %dma_wait3A_90 = tpu.memref_slice %arg3[%mul3A_2, %dma_wait3A_89] : memref<128x128xi32, #tpu.memory_space<hbm>> -> memref<4x128xi32, #tpu.memory_space<hbm>>
      tpu.wait_dma2 semaphore(%run_scoped3A : memref<!tpu.dma_semaphore, #tpu.memory_space<semaphore_mem>>) src(%dma_wait3A_90 : memref<4x128xi32, #tpu.memory_space<hbm>>) dst(%arg5 : memref<4x128xi32, #tpu.memory_space<vmem>>)
      tpu.yield
    }) : () -> ()
    %dma_start3A = arith.constant 0 : i32
    %dma_start3A_3 = arith.constant 0 : i32
    %dma_start3A_4 = arith.constant 0 : i32
    %dma_start3A_5 = tpu.memref_slice %arg6[%dma_start3A_3, %dma_start3A_4] : memref<512x64xf32, #tpu.memory_space<vmem>> -> memref<128x64xf32, #tpu.memory_space<vmem>>
    %dma_start3A_6 = arith.constant 0 : i32
    %dma_start3A_7 = tpu.memref_slice %arg5[%dma_start3A, %dma_start3A_6] : memref<4x128xi32, #tpu.memory_space<vmem>> -> memref<1x128xi32, #tpu.memory_space<vmem>>
    %dma_start3A_8 = tpu.memref_squeeze %dma_start3A_7 : memref<1x128xi32, #tpu.memory_space<vmem>> -> memref<128xi32, #tpu.memory_space<vmem>>
    %dma_start3A_9 = arith.constant 0 : i32
    %dma_start3A_10 = arith.constant 0 : i32
    %dma_start3A_11 = tpu.memref_slice %arg2[%dma_start3A_9, %dma_start3A_10] : memref<1024x64xf32, #tpu.memory_space<hbm>> -> memref<1024x64xf32, #tpu.memory_space<hbm>>
    tpu.enqueue_indirect_dma source(%dma_start3A_11 : memref<1024x64xf32, #tpu.memory_space<hbm>>) target(%dma_start3A_5 : memref<128x64xf32, #tpu.memory_space<vmem>>) offsets(%dma_start3A_8 : memref<128xi32, #tpu.memory_space<vmem>>) semaphore(%arg7 : memref<!tpu.dma_semaphore, #tpu.memory_space<semaphore_mem>>)
    %dma_wait3A = arith.constant 0 : i32
    %dma_wait3A_12 = arith.constant 0 : i32
    %dma_wait3A_13 = arith.constant 0 : i32
    %dma_wait3A_14 = tpu.memref_slice %arg6[%dma_wait3A_12, %dma_wait3A_13] : memref<512x64xf32, #tpu.memory_space<vmem>> -> memref<128x64xf32, #tpu.memory_space<vmem>>
    %dma_wait3A_15 = arith.constant 0 : i32
    %dma_wait3A_16 = tpu.memref_slice %arg5[%dma_wait3A, %dma_wait3A_15] : memref<4x128xi32, #tpu.memory_space<vmem>> -> memref<1x128xi32, #tpu.memory_space<vmem>>
    %dma_wait3A_17 = tpu.memref_squeeze %dma_wait3A_16 : memref<1x128xi32, #tpu.memory_space<vmem>> -> memref<128xi32, #tpu.memory_space<vmem>>
    %dma_wait3A_18 = arith.constant 0 : i32
    %dma_wait3A_19 = arith.constant 0 : i32
    %dma_wait3A_20 = tpu.memref_slice %arg2[%dma_wait3A_18, %dma_wait3A_19] : memref<1024x64xf32, #tpu.memory_space<hbm>> -> memref<1024x64xf32, #tpu.memory_space<hbm>>
    tpu.wait_indirect_dma semaphore(%arg7 : memref<!tpu.dma_semaphore, #tpu.memory_space<semaphore_mem>>) src(%dma_wait3A_20 : memref<1024x64xf32, #tpu.memory_space<hbm>>) dst(%dma_wait3A_14 : memref<128x64xf32, #tpu.memory_space<vmem>>)
    %dma_start3A_21 = arith.constant 1 : i32
    %dma_start3A_22 = arith.constant 128 : i32
    %dma_start3A_23 = arith.constant 0 : i32
    %dma_start3A_24 = tpu.memref_slice %arg6[%dma_start3A_22, %dma_start3A_23] : memref<512x64xf32, #tpu.memory_space<vmem>> -> memref<128x64xf32, #tpu.memory_space<vmem>>
    %dma_start3A_25 = arith.constant 0 : i32
    %dma_start3A_26 = tpu.memref_slice %arg5[%dma_start3A_21, %dma_start3A_25] : memref<4x128xi32, #tpu.memory_space<vmem>> -> memref<1x128xi32, #tpu.memory_space<vmem>>
    %dma_start3A_27 = tpu.memref_squeeze %dma_start3A_26 : memref<1x128xi32, #tpu.memory_space<vmem>> -> memref<128xi32, #tpu.memory_space<vmem>>
    %dma_start3A_28 = arith.constant 0 : i32
    %dma_start3A_29 = arith.constant 0 : i32
    %dma_start3A_30 = tpu.memref_slice %arg2[%dma_start3A_28, %dma_start3A_29] : memref<1024x64xf32, #tpu.memory_space<hbm>> -> memref<1024x64xf32, #tpu.memory_space<hbm>>
    tpu.enqueue_indirect_dma source(%dma_start3A_30 : memref<1024x64xf32, #tpu.memory_space<hbm>>) target(%dma_start3A_24 : memref<128x64xf32, #tpu.memory_space<vmem>>) offsets(%dma_start3A_27 : memref<128xi32, #tpu.memory_space<vmem>>) semaphore(%arg7 : memref<!tpu.dma_semaphore, #tpu.memory_space<semaphore_mem>>)
    %dma_wait3A_31 = arith.constant 1 : i32
    %dma_wait3A_32 = arith.constant 128 : i32
    %dma_wait3A_33 = arith.constant 0 : i32
    %dma_wait3A_34 = tpu.memref_slice %arg6[%dma_wait3A_32, %dma_wait3A_33] : memref<512x64xf32, #tpu.memory_space<vmem>> -> memref<128x64xf32, #tpu.memory_space<vmem>>
    %dma_wait3A_35 = arith.constant 0 : i32
    %dma_wait3A_36 = tpu.memref_slice %arg5[%dma_wait3A_31, %dma_wait3A_35] : memref<4x128xi32, #tpu.memory_space<vmem>> -> memref<1x128xi32, #tpu.memory_space<vmem>>
    %dma_wait3A_37 = tpu.memref_squeeze %dma_wait3A_36 : memref<1x128xi32, #tpu.memory_space<vmem>> -> memref<128xi32, #tpu.memory_space<vmem>>
    %dma_wait3A_38 = arith.constant 0 : i32
    %dma_wait3A_39 = arith.constant 0 : i32
    %dma_wait3A_40 = tpu.memref_slice %arg2[%dma_wait3A_38, %dma_wait3A_39] : memref<1024x64xf32, #tpu.memory_space<hbm>> -> memref<1024x64xf32, #tpu.memory_space<hbm>>
    tpu.wait_indirect_dma semaphore(%arg7 : memref<!tpu.dma_semaphore, #tpu.memory_space<semaphore_mem>>) src(%dma_wait3A_40 : memref<1024x64xf32, #tpu.memory_space<hbm>>) dst(%dma_wait3A_34 : memref<128x64xf32, #tpu.memory_space<vmem>>)
    %dma_start3A_41 = arith.constant 2 : i32
    %dma_start3A_42 = arith.constant 256 : i32
    %dma_start3A_43 = arith.constant 0 : i32
    %dma_start3A_44 = tpu.memref_slice %arg6[%dma_start3A_42, %dma_start3A_43] : memref<512x64xf32, #tpu.memory_space<vmem>> -> memref<128x64xf32, #tpu.memory_space<vmem>>
    %dma_start3A_45 = arith.constant 0 : i32
    %dma_start3A_46 = tpu.memref_slice %arg5[%dma_start3A_41, %dma_start3A_45] : memref<4x128xi32, #tpu.memory_space<vmem>> -> memref<1x128xi32, #tpu.memory_space<vmem>>
    %dma_start3A_47 = tpu.memref_squeeze %dma_start3A_46 : memref<1x128xi32, #tpu.memory_space<vmem>> -> memref<128xi32, #tpu.memory_space<vmem>>
    %dma_start3A_48 = arith.constant 0 : i32
    %dma_start3A_49 = arith.constant 0 : i32
    %dma_start3A_50 = tpu.memref_slice %arg2[%dma_start3A_48, %dma_start3A_49] : memref<1024x64xf32, #tpu.memory_space<hbm>> -> memref<1024x64xf32, #tpu.memory_space<hbm>>
    tpu.enqueue_indirect_dma source(%dma_start3A_50 : memref<1024x64xf32, #tpu.memory_space<hbm>>) target(%dma_start3A_44 : memref<128x64xf32, #tpu.memory_space<vmem>>) offsets(%dma_start3A_47 : memref<128xi32, #tpu.memory_space<vmem>>) semaphore(%arg7 : memref<!tpu.dma_semaphore, #tpu.memory_space<semaphore_mem>>)
    %dma_wait3A_51 = arith.constant 2 : i32
    %dma_wait3A_52 = arith.constant 256 : i32
    %dma_wait3A_53 = arith.constant 0 : i32
    %dma_wait3A_54 = tpu.memref_slice %arg6[%dma_wait3A_52, %dma_wait3A_53] : memref<512x64xf32, #tpu.memory_space<vmem>> -> memref<128x64xf32, #tpu.memory_space<vmem>>
    %dma_wait3A_55 = arith.constant 0 : i32
    %dma_wait3A_56 = tpu.memref_slice %arg5[%dma_wait3A_51, %dma_wait3A_55] : memref<4x128xi32, #tpu.memory_space<vmem>> -> memref<1x128xi32, #tpu.memory_space<vmem>>
    %dma_wait3A_57 = tpu.memref_squeeze %dma_wait3A_56 : memref<1x128xi32, #tpu.memory_space<vmem>> -> memref<128xi32, #tpu.memory_space<vmem>>
    %dma_wait3A_58 = arith.constant 0 : i32
    %dma_wait3A_59 = arith.constant 0 : i32
    %dma_wait3A_60 = tpu.memref_slice %arg2[%dma_wait3A_58, %dma_wait3A_59] : memref<1024x64xf32, #tpu.memory_space<hbm>> -> memref<1024x64xf32, #tpu.memory_space<hbm>>
    tpu.wait_indirect_dma semaphore(%arg7 : memref<!tpu.dma_semaphore, #tpu.memory_space<semaphore_mem>>) src(%dma_wait3A_60 : memref<1024x64xf32, #tpu.memory_space<hbm>>) dst(%dma_wait3A_54 : memref<128x64xf32, #tpu.memory_space<vmem>>)
    %dma_start3A_61 = arith.constant 3 : i32
    %dma_start3A_62 = arith.constant 384 : i32
    %dma_start3A_63 = arith.constant 0 : i32
    %dma_start3A_64 = tpu.memref_slice %arg6[%dma_start3A_62, %dma_start3A_63] : memref<512x64xf32, #tpu.memory_space<vmem>> -> memref<128x64xf32, #tpu.memory_space<vmem>>
    %dma_start3A_65 = arith.constant 0 : i32
    %dma_start3A_66 = tpu.memref_slice %arg5[%dma_start3A_61, %dma_start3A_65] : memref<4x128xi32, #tpu.memory_space<vmem>> -> memref<1x128xi32, #tpu.memory_space<vmem>>
    %dma_start3A_67 = tpu.memref_squeeze %dma_start3A_66 : memref<1x128xi32, #tpu.memory_space<vmem>> -> memref<128xi32, #tpu.memory_space<vmem>>
    %dma_start3A_68 = arith.constant 0 : i32
    %dma_start3A_69 = arith.constant 0 : i32
    %dma_start3A_70 = tpu.memref_slice %arg2[%dma_start3A_68, %dma_start3A_69] : memref<1024x64xf32, #tpu.memory_space<hbm>> -> memref<1024x64xf32, #tpu.memory_space<hbm>>
    tpu.enqueue_indirect_dma source(%dma_start3A_70 : memref<1024x64xf32, #tpu.memory_space<hbm>>) target(%dma_start3A_64 : memref<128x64xf32, #tpu.memory_space<vmem>>) offsets(%dma_start3A_67 : memref<128xi32, #tpu.memory_space<vmem>>) semaphore(%arg7 : memref<!tpu.dma_semaphore, #tpu.memory_space<semaphore_mem>>)
    %dma_wait3A_71 = arith.constant 3 : i32
    %dma_wait3A_72 = arith.constant 384 : i32
    %dma_wait3A_73 = arith.constant 0 : i32
    %dma_wait3A_74 = tpu.memref_slice %arg6[%dma_wait3A_72, %dma_wait3A_73] : memref<512x64xf32, #tpu.memory_space<vmem>> -> memref<128x64xf32, #tpu.memory_space<vmem>>
    %dma_wait3A_75 = arith.constant 0 : i32
    %dma_wait3A_76 = tpu.memref_slice %arg5[%dma_wait3A_71, %dma_wait3A_75] : memref<4x128xi32, #tpu.memory_space<vmem>> -> memref<1x128xi32, #tpu.memory_space<vmem>>
    %dma_wait3A_77 = tpu.memref_squeeze %dma_wait3A_76 : memref<1x128xi32, #tpu.memory_space<vmem>> -> memref<128xi32, #tpu.memory_space<vmem>>
    %dma_wait3A_78 = arith.constant 0 : i32
    %dma_wait3A_79 = arith.constant 0 : i32
    %dma_wait3A_80 = tpu.memref_slice %arg2[%dma_wait3A_78, %dma_wait3A_79] : memref<1024x64xf32, #tpu.memory_space<hbm>> -> memref<1024x64xf32, #tpu.memory_space<hbm>>
    tpu.wait_indirect_dma semaphore(%arg7 : memref<!tpu.dma_semaphore, #tpu.memory_space<semaphore_mem>>) src(%dma_wait3A_80 : memref<1024x64xf32, #tpu.memory_space<hbm>>) dst(%dma_wait3A_74 : memref<128x64xf32, #tpu.memory_space<vmem>>)
    %mul3A_81 = arith.constant 512 : i32
    %mul3A_82 = arith.muli %add3A, %mul3A_81 : i32
    "tpu.region"() ({
      %run_scoped3A = tpu.sem_alloc : memref<!tpu.dma_semaphore, #tpu.memory_space<semaphore_mem>>
      %dma_start3A_83 = arith.constant 0 : i32
      %dma_start3A_84 = tpu.memref_slice %arg4[%mul3A_82, %dma_start3A_83] : memref<16384x64xf32, #tpu.memory_space<hbm>> -> memref<512x64xf32, #tpu.memory_space<hbm>>
      %dma_start3A_85 = arith.constant 0 : i32
      %dma_start3A_86 = tpu.memref_slice %arg4[%mul3A_82, %dma_start3A_85] : memref<16384x64xf32, #tpu.memory_space<hbm>> -> memref<512x64xf32, #tpu.memory_space<hbm>>
      tpu.enqueue_dma source(%arg6 : memref<512x64xf32, #tpu.memory_space<vmem>>) target(%dma_start3A_86 : memref<512x64xf32, #tpu.memory_space<hbm>>) target_semaphore(%run_scoped3A : memref<!tpu.dma_semaphore, #tpu.memory_space<semaphore_mem>>)
      %dma_wait3A_87 = arith.constant 0 : i32
      %dma_wait3A_88 = tpu.memref_slice %arg4[%mul3A_82, %dma_wait3A_87] : memref<16384x64xf32, #tpu.memory_space<hbm>> -> memref<512x64xf32, #tpu.memory_space<hbm>>
      %dma_wait3A_89 = arith.constant 0 : i32
      %dma_wait3A_90 = tpu.memref_slice %arg4[%mul3A_82, %dma_wait3A_89] : memref<16384x64xf32, #tpu.memory_space<hbm>> -> memref<512x64xf32, #tpu.memory_space<hbm>>
      tpu.wait_dma2 semaphore(%run_scoped3A : memref<!tpu.dma_semaphore, #tpu.memory_space<semaphore_mem>>) src(%arg6 : memref<512x64xf32, #tpu.memory_space<vmem>>) dst(%dma_wait3A_90 : memref<512x64xf32, #tpu.memory_space<hbm>>)
      tpu.yield
    }) : () -> ()
    return
  }
}

#map = affine_map<(d0, d1) -> (0, 0)>
module attributes {stable_mosaic.version = 14 : i64} {
  func.func @g(%arg0: i32, %arg1: i32, %arg2: memref<1024x64xf32, #tpu.memory_space<hbm>>, %arg3: memref<128x128xi32, #tpu.memory_space<hbm>>, %arg4: memref<16384x64xf32, #tpu.memory_space<hbm>>, %arg5: memref<4x128xi32, #tpu.memory_space<vmem>>, %arg6: memref<512x64xf32, #tpu.memory_space<vmem>>, %arg7: memref<!tpu.dma_semaphore, #tpu.memory_space<semaphore_mem>>) attributes {dimension_semantics = [#tpu.dimension_semantics<core_parallel>, #tpu.dimension_semantics<subcore_parallel>], iteration_bounds = array<i64: 2, 16>, scalar_prefetch = 0 : i64, scratch_operands = 3 : i64, tpu.core_type = #tpu.core_type<sc_vector_subcore>, window_params = [{transform_indices = #map}, {transform_indices = #map}, {transform_indices = #map}]} {
    %mul3A = arith.constant 2 : i32
    %mul3A_0 = arith.muli %arg1, %mul3A : i32
    %add3A = arith.addi %mul3A_0, %arg0 : i32
    %mul3A_1 = arith.constant 4 : i32
    %mul3A_2 = arith.muli %add3A, %mul3A_1 : i32
    "tpu.region"() ({
      %run_scoped3A = tpu.sem_alloc : memref<!tpu.dma_semaphore, #tpu.memory_space<semaphore_mem>>
      %dma_start3A_83 = arith.constant 0 : i32
      %dma_start3A_84 = tpu.memref_slice %arg3[%mul3A_2, %dma_start3A_83] : memref<128x128xi32, #tpu.memory_space<hbm>> -> memref<4x128xi32, #tpu.memory_space<hbm>>
      %dma_start3A_85 = arith.constant 0 : i32
      %dma_start3A_86 = tpu.memref_slice %arg3[%mul3A_2, %dma_start3A_85] : memref<128x128xi32, #tpu.memory_space<hbm>> -> memref<4x128xi32, #tpu.memory_space<hbm>>
      tpu.enqueue_dma source(%dma_start3A_86 : memref<4x128xi32, #tpu.memory_space<hbm>>) target(%arg5 : memref<4x128xi32, #tpu.memory_space<vmem>>) target_semaphore(%run_scoped3A : memref<!tpu.dma_semaphore, #tpu.memory_space<semaphore_mem>>)
      %dma_wait3A_87 = arith.constant 0 : i32
      %dma_wait3A_88 = tpu.memref_slice %arg3[%mul3A_2, %dma_wait3A_87] : memref<128x128xi32, #tpu.memory_space<hbm>> -> memref<4x128xi32, #tpu.memory_space<hbm>>
      %dma_wait3A_89 = arith.constant 0 : i32
      %dma_wait3A_90 = tpu.memref_slice %arg3[%mul3A_2, %dma_wait3A_89] : memref<128x128xi32, #tpu.memory_space<hbm>> -> memref<4x128xi32, #tpu.memory_space<hbm>>
      tpu.wait_dma2 semaphore(%run_scoped3A : memref<!tpu.dma_semaphore, #tpu.memory_space<semaphore_mem>>) src(%dma_wait3A_90 : memref<4x128xi32, #tpu.memory_space<hbm>>) dst(%arg5 : memref<4x128xi32, #tpu.memory_space<vmem>>)
      tpu.yield
    }) : () -> ()
    %dma_start3A = arith.constant 0 : i32
    %dma_start3A_3 = arith.constant 0 : i32
    %dma_start3A_4 = arith.constant 0 : i32
    %dma_start3A_5 = tpu.memref_slice %arg6[%dma_start3A_3, %dma_start3A_4] : memref<512x64xf32, #tpu.memory_space<vmem>> -> memref<128x64xf32, #tpu.memory_space<vmem>>
    %dma_start3A_6 = arith.constant 0 : i32
    %dma_start3A_7 = tpu.memref_slice %arg5[%dma_start3A, %dma_start3A_6] : memref<4x128xi32, #tpu.memory_space<vmem>> -> memref<1x128xi32, #tpu.memory_space<vmem>>
    %dma_start3A_8 = tpu.memref_squeeze %dma_start3A_7 : memref<1x128xi32, #tpu.memory_space<vmem>> -> memref<128xi32, #tpu.memory_space<vmem>>
    %dma_start3A_9 = arith.constant 0 : i32
    %dma_start3A_10 = arith.constant 0 : i32
    %dma_start3A_11 = tpu.memref_slice %arg2[%dma_start3A_9, %dma_start3A_10] : memref<1024x64xf32, #tpu.memory_space<hbm>> -> memref<1024x64xf32, #tpu.memory_space<hbm>>
    tpu.enqueue_indirect_dma source(%dma_start3A_11 : memref<1024x64xf32, #tpu.memory_space<hbm>>) target(%dma_start3A_5 : memref<128x64xf32, #tpu.memory_space<vmem>>) offsets(%dma_start3A_8 : memref<128xi32, #tpu.memory_space<vmem>>) semaphore(%arg7 : memref<!tpu.dma_semaphore, #tpu.memory_space<semaphore_mem>>)
    %dma_wait3A = arith.constant 0 : i32
    %dma_wait3A_12 = arith.constant 0 : i32
    %dma_wait3A_13 = arith.constant 0 : i32
    %dma_wait3A_14 = tpu.memref_slice %arg6[%dma_wait3A_12, %dma_wait3A_13] : memref<512x64xf32, #tpu.memory_space<vmem>> -> memref<128x64xf32, #tpu.memory_space<vmem>>
    %dma_wait3A_15 = arith.constant 0 : i32
    %dma_wait3A_16 = tpu.memref_slice %arg5[%dma_wait3A, %dma_wait3A_15] : memref<4x128xi32, #tpu.memory_space<vmem>> -> memref<1x128xi32, #tpu.memory_space<vmem>>
    %dma_wait3A_17 = tpu.memref_squeeze %dma_wait3A_16 : memref<1x128xi32, #tpu.memory_space<vmem>> -> memref<128xi32, #tpu.memory_space<vmem>>
    %dma_wait3A_18 = arith.constant 0 : i32
    %dma_wait3A_19 = arith.constant 0 : i32
    %dma_wait3A_20 = tpu.memref_slice %arg2[%dma_wait3A_18, %dma_wait3A_19] : memref<1024x64xf32, #tpu.memory_space<hbm>> -> memref<1024x64xf32, #tpu.memory_space<hbm>>
    tpu.wait_indirect_dma semaphore(%arg7 : memref<!tpu.dma_semaphore, #tpu.memory_space<semaphore_mem>>) src(%dma_wait3A_20 : memref<1024x64xf32, #tpu.memory_space<hbm>>) dst(%dma_wait3A_14 : memref<128x64xf32, #tpu.memory_space<vmem>>)
    %dma_start3A_21 = arith.constant 1 : i32
    %dma_start3A_22 = arith.constant 128 : i32
    %dma_start3A_23 = arith.constant 0 : i32
    %dma_start3A_24 = tpu.memref_slice %arg6[%dma_start3A_22, %dma_start3A_23] : memref<512x64xf32, #tpu.memory_space<vmem>> -> memref<128x64xf32, #tpu.memory_space<vmem>>
    %dma_start3A_25 = arith.constant 0 : i32
    %dma_start3A_26 = tpu.memref_slice %arg5[%dma_start3A_21, %dma_start3A_25] : memref<4x128xi32, #tpu.memory_space<vmem>> -> memref<1x128xi32, #tpu.memory_space<vmem>>
    %dma_start3A_27 = tpu.memref_squeeze %dma_start3A_26 : memref<1x128xi32, #tpu.memory_space<vmem>> -> memref<128xi32, #tpu.memory_space<vmem>>
    %dma_start3A_28 = arith.constant 0 : i32
    %dma_start3A_29 = arith.constant 0 : i32
    %dma_start3A_30 = tpu.memref_slice %arg2[%dma_start3A_28, %dma_start3A_29] : memref<1024x64xf32, #tpu.memory_space<hbm>> -> memref<1024x64xf32, #tpu.memory_space<hbm>>
    tpu.enqueue_indirect_dma source(%dma_start3A_30 : memref<1024x64xf32, #tpu.memory_space<hbm>>) target(%dma_start3A_24 : memref<128x64xf32, #tpu.memory_space<vmem>>) offsets(%dma_start3A_27 : memref<128xi32, #tpu.memory_space<vmem>>) semaphore(%arg7 : memref<!tpu.dma_semaphore, #tpu.memory_space<semaphore_mem>>)
    %dma_wait3A_31 = arith.constant 1 : i32
    %dma_wait3A_32 = arith.constant 128 : i32
    %dma_wait3A_33 = arith.constant 0 : i32
    %dma_wait3A_34 = tpu.memref_slice %arg6[%dma_wait3A_32, %dma_wait3A_33] : memref<512x64xf32, #tpu.memory_space<vmem>> -> memref<128x64xf32, #tpu.memory_space<vmem>>
    %dma_wait3A_35 = arith.constant 0 : i32
    %dma_wait3A_36 = tpu.memref_slice %arg5[%dma_wait3A_31, %dma_wait3A_35] : memref<4x128xi32, #tpu.memory_space<vmem>> -> memref<1x128xi32, #tpu.memory_space<vmem>>
    %dma_wait3A_37 = tpu.memref_squeeze %dma_wait3A_36 : memref<1x128xi32, #tpu.memory_space<vmem>> -> memref<128xi32, #tpu.memory_space<vmem>>
    %dma_wait3A_38 = arith.constant 0 : i32
    %dma_wait3A_39 = arith.constant 0 : i32
    %dma_wait3A_40 = tpu.memref_slice %arg2[%dma_wait3A_38, %dma_wait3A_39] : memref<1024x64xf32, #tpu.memory_space<hbm>> -> memref<1024x64xf32, #tpu.memory_space<hbm>>
    tpu.wait_indirect_dma semaphore(%arg7 : memref<!tpu.dma_semaphore, #tpu.memory_space<semaphore_mem>>) src(%dma_wait3A_40 : memref<1024x64xf32, #tpu.memory_space<hbm>>) dst(%dma_wait3A_34 : memref<128x64xf32, #tpu.memory_space<vmem>>)
    %dma_start3A_41 = arith.constant 2 : i32
    %dma_start3A_42 = arith.constant 256 : i32
    %dma_start3A_43 = arith.constant 0 : i32
    %dma_start3A_44 = tpu.memref_slice %arg6[%dma_start3A_42, %dma_start3A_43] : memref<512x64xf32, #tpu.memory_space<vmem>> -> memref<128x64xf32, #tpu.memory_space<vmem>>
    %dma_start3A_45 = arith.constant 0 : i32
    %dma_start3A_46 = tpu.memref_slice %arg5[%dma_start3A_41, %dma_start3A_45] : memref<4x128xi32, #tpu.memory_space<vmem>> -> memref<1x128xi32, #tpu.memory_space<vmem>>
    %dma_start3A_47 = tpu.memref_squeeze %dma_start3A_46 : memref<1x128xi32, #tpu.memory_space<vmem>> -> memref<128xi32, #tpu.memory_space<vmem>>
    %dma_start3A_48 = arith.constant 0 : i32
    %dma_start3A_49 = arith.constant 0 : i32
    %dma_start3A_50 = tpu.memref_slice %arg2[%dma_start3A_48, %dma_start3A_49] : memref<1024x64xf32, #tpu.memory_space<hbm>> -> memref<1024x64xf32, #tpu.memory_space<hbm>>
    tpu.enqueue_indirect_dma source(%dma_start3A_50 : memref<1024x64xf32, #tpu.memory_space<hbm>>) target(%dma_start3A_44 : memref<128x64xf32, #tpu.memory_space<vmem>>) offsets(%dma_start3A_47 : memref<128xi32, #tpu.memory_space<vmem>>) semaphore(%arg7 : memref<!tpu.dma_semaphore, #tpu.memory_space<semaphore_mem>>)
    %dma_wait3A_51 = arith.constant 2 : i32
    %dma_wait3A_52 = arith.constant 256 : i32
    %dma_wait3A_53 = arith.constant 0 : i32
    %dma_wait3A_54 = tpu.memref_slice %arg6[%dma_wait3A_52, %dma_wait3A_53] : memref<512x64xf32, #tpu.memory_space<vmem>> -> memref<128x64xf32, #tpu.memory_space<vmem>>
    %dma_wait3A_55 = arith.constant 0 : i32
    %dma_wait3A_56 = tpu.memref_slice %arg5[%dma_wait3A_51, %dma_wait3A_55] : memref<4x128xi32, #tpu.memory_space<vmem>> -> memref<1x128xi32, #tpu.memory_space<vmem>>
    %dma_wait3A_57 = tpu.memref_squeeze %dma_wait3A_56 : memref<1x128xi32, #tpu.memory_space<vmem>> -> memref<128xi32, #tpu.memory_space<vmem>>
    %dma_wait3A_58 = arith.constant 0 : i32
    %dma_wait3A_59 = arith.constant 0 : i32
    %dma_wait3A_60 = tpu.memref_slice %arg2[%dma_wait3A_58, %dma_wait3A_59] : memref<1024x64xf32, #tpu.memory_space<hbm>> -> memref<1024x64xf32, #tpu.memory_space<hbm>>
    tpu.wait_indirect_dma semaphore(%arg7 : memref<!tpu.dma_semaphore, #tpu.memory_space<semaphore_mem>>) src(%dma_wait3A_60 : memref<1024x64xf32, #tpu.memory_space<hbm>>) dst(%dma_wait3A_54 : memref<128x64xf32, #tpu.memory_space<vmem>>)
    %dma_start3A_61 = arith.constant 3 : i32
    %dma_start3A_62 = arith.constant 384 : i32
    %dma_start3A_63 = arith.constant 0 : i32
    %dma_start3A_64 = tpu.memref_slice %arg6[%dma_start3A_62, %dma_start3A_63] : memref<512x64xf32, #tpu.memory_space<vmem>> -> memref<128x64xf32, #tpu.memory_space<vmem>>
    %dma_start3A_65 = arith.constant 0 : i32
    %dma_start3A_66 = tpu.memref_slice %arg5[%dma_start3A_61, %dma_start3A_65] : memref<4x128xi32, #tpu.memory_space<vmem>> -> memref<1x128xi32, #tpu.memory_space<vmem>>
    %dma_start3A_67 = tpu.memref_squeeze %dma_start3A_66 : memref<1x128xi32, #tpu.memory_space<vmem>> -> memref<128xi32, #tpu.memory_space<vmem>>
    %dma_start3A_68 = arith.constant 0 : i32
    %dma_start3A_69 = arith.constant 0 : i32
    %dma_start3A_70 = tpu.memref_slice %arg2[%dma_start3A_68, %dma_start3A_69] : memref<1024x64xf32, #tpu.memory_space<hbm>> -> memref<1024x64xf32, #tpu.memory_space<hbm>>
    tpu.enqueue_indirect_dma source(%dma_start3A_70 : memref<1024x64xf32, #tpu.memory_space<hbm>>) target(%dma_start3A_64 : memref<128x64xf32, #tpu.memory_space<vmem>>) offsets(%dma_start3A_67 : memref<128xi32, #tpu.memory_space<vmem>>) semaphore(%arg7 : memref<!tpu.dma_semaphore, #tpu.memory_space<semaphore_mem>>)
    %dma_wait3A_71 = arith.constant 3 : i32
    %dma_wait3A_72 = arith.constant 384 : i32
    %dma_wait3A_73 = arith.constant 0 : i32
    %dma_wait3A_74 = tpu.memref_slice %arg6[%dma_wait3A_72, %dma_wait3A_73] : memref<512x64xf32, #tpu.memory_space<vmem>> -> memref<128x64xf32, #tpu.memory_space<vmem>>
    %dma_wait3A_75 = arith.constant 0 : i32
    %dma_wait3A_76 = tpu.memref_slice %arg5[%dma_wait3A_71, %dma_wait3A_75] : memref<4x128xi32, #tpu.memory_space<vmem>> -> memref<1x128xi32, #tpu.memory_space<vmem>>
    %dma_wait3A_77 = tpu.memref_squeeze %dma_wait3A_76 : memref<1x128xi32, #tpu.memory_space<vmem>> -> memref<128xi32, #tpu.memory_space<vmem>>
    %dma_wait3A_78 = arith.constant 0 : i32
    %dma_wait3A_79 = arith.constant 0 : i32
    %dma_wait3A_80 = tpu.memref_slice %arg2[%dma_wait3A_78, %dma_wait3A_79] : memref<1024x64xf32, #tpu.memory_space<hbm>> -> memref<1024x64xf32, #tpu.memory_space<hbm>>
    tpu.wait_indirect_dma semaphore(%arg7 : memref<!tpu.dma_semaphore, #tpu.memory_space<semaphore_mem>>) src(%dma_wait3A_80 : memref<1024x64xf32, #tpu.memory_space<hbm>>) dst(%dma_wait3A_74 : memref<128x64xf32, #tpu.memory_space<vmem>>)
    %mul3A_81 = arith.constant 512 : i32
    %mul3A_82 = arith.muli %add3A, %mul3A_81 : i32
    "tpu.region"() ({
      %run_scoped3A = tpu.sem_alloc : memref<!tpu.dma_semaphore, #tpu.memory_space<semaphore_mem>>
      %dma_start3A_83 = arith.constant 0 : i32
      %dma_start3A_84 = tpu.memref_slice %arg4[%mul3A_82, %dma_start3A_83] : memref<16384x64xf32, #tpu.memory_space<hbm>> -> memref<512x64xf32, #tpu.memory_space<hbm>>
      %dma_start3A_85 = arith.constant 0 : i32
      %dma_start3A_86 = tpu.memref_slice %arg4[%mul3A_82, %dma_start3A_85] : memref<16384x64xf32, #tpu.memory_space<hbm>> -> memref<512x64xf32, #tpu.memory_space<hbm>>
      tpu.enqueue_dma source(%arg6 : memref<512x64xf32, #tpu.memory_space<vmem>>) target(%dma_start3A_86 : memref<512x64xf32, #tpu.memory_space<hbm>>) target_semaphore(%run_scoped3A : memref<!tpu.dma_semaphore, #tpu.memory_space<semaphore_mem>>)
      %dma_wait3A_87 = arith.constant 0 : i32
      %dma_wait3A_88 = tpu.memref_slice %arg4[%mul3A_82, %dma_wait3A_87] : memref<16384x64xf32, #tpu.memory_space<hbm>> -> memref<512x64xf32, #tpu.memory_space<hbm>>
      %dma_wait3A_89 = arith.constant 0 : i32
      %dma_wait3A_90 = tpu.memref_slice %arg4[%mul3A_82, %dma_wait3A_89] : memref<16384x64xf32, #tpu.memory_space<hbm>> -> memref<512x64xf32, #tpu.memory_space<hbm>>
      tpu.wait_dma2 semaphore(%run_scoped3A : memref<!tpu.dma_semaphore, #tpu.memory_space<semaphore_mem>>) src(%arg6 : memref<512x64xf32, #tpu.memory_space<vmem>>) dst(%dma_wait3A_90 : memref<512x64xf32, #tpu.memory_space<hbm>>)
      tpu.yield
    }) : () -> ()
    return
  }
}

#map = affine_map<(d0, d1) -> (0, 0)>
module attributes {stable_mosaic.version = 14 : i64} {
  func.func @g(%arg0: i32, %arg1: i32, %arg2: memref<1024x64xf32, #tpu.memory_space<hbm>>, %arg3: memref<128x128xi32, #tpu.memory_space<hbm>>, %arg4: memref<16384x64xf32, #tpu.memory_space<hbm>>, %arg5: memref<4x128xi32, #tpu.memory_space<vmem>>, %arg6: memref<512x64xf32, #tpu.memory_space<vmem>>, %arg7: memref<!tpu.dma_semaphore, #tpu.memory_space<semaphore_mem>>) attributes {dimension_semantics = [#tpu.dimension_semantics<core_parallel>, #tpu.dimension_semantics<subcore_parallel>], iteration_bounds = array<i64: 2, 16>, scalar_prefetch = 0 : i64, scratch_operands = 3 : i64, tpu.core_type = #tpu.core_type<sc_vector_subcore>, window_params = [{transform_indices = #map}, {transform_indices = #map}, {transform_indices = #map}]} {
    %mul3A = arith.constant 2 : i32
    %mul3A_0 = arith.muli %arg1, %mul3A : i32
    %add3A = arith.addi %mul3A_0, %arg0 : i32
    %mul3A_1 = arith.constant 4 : i32
    %mul3A_2 = arith.muli %add3A, %mul3A_1 : i32
    "tpu.region"() ({
      %run_scoped3A = tpu.sem_alloc : memref<!tpu.dma_semaphore, #tpu.memory_space<semaphore_mem>>
      %dma_start3A_83 = arith.constant 0 : i32
      %dma_start3A_84 = tpu.memref_slice %arg3[%mul3A_2, %dma_start3A_83] : memref<128x128xi32, #tpu.memory_space<hbm>> -> memref<4x128xi32, #tpu.memory_space<hbm>>
      %dma_start3A_85 = arith.constant 0 : i32
      %dma_start3A_86 = tpu.memref_slice %arg3[%mul3A_2, %dma_start3A_85] : memref<128x128xi32, #tpu.memory_space<hbm>> -> memref<4x128xi32, #tpu.memory_space<hbm>>
      tpu.enqueue_dma source(%dma_start3A_86 : memref<4x128xi32, #tpu.memory_space<hbm>>) target(%arg5 : memref<4x128xi32, #tpu.memory_space<vmem>>) target_semaphore(%run_scoped3A : memref<!tpu.dma_semaphore, #tpu.memory_space<semaphore_mem>>)
      %dma_wait3A_87 = arith.constant 0 : i32
      %dma_wait3A_88 = tpu.memref_slice %arg3[%mul3A_2, %dma_wait3A_87] : memref<128x128xi32, #tpu.memory_space<hbm>> -> memref<4x128xi32, #tpu.memory_space<hbm>>
      %dma_wait3A_89 = arith.constant 0 : i32
      %dma_wait3A_90 = tpu.memref_slice %arg3[%mul3A_2, %dma_wait3A_89] : memref<128x128xi32, #tpu.memory_space<hbm>> -> memref<4x128xi32, #tpu.memory_space<hbm>>
      tpu.wait_dma2 semaphore(%run_scoped3A : memref<!tpu.dma_semaphore, #tpu.memory_space<semaphore_mem>>) src(%dma_wait3A_90 : memref<4x128xi32, #tpu.memory_space<hbm>>) dst(%arg5 : memref<4x128xi32, #tpu.memory_space<vmem>>)
      tpu.yield
    }) : () -> ()
    %dma_start3A = arith.constant 0 : i32
    %dma_start3A_3 = arith.constant 0 : i32
    %dma_start3A_4 = arith.constant 0 : i32
    %dma_start3A_5 = tpu.memref_slice %arg6[%dma_start3A_3, %dma_start3A_4] : memref<512x64xf32, #tpu.memory_space<vmem>> -> memref<128x64xf32, #tpu.memory_space<vmem>>
    %dma_start3A_6 = arith.constant 0 : i32
    %dma_start3A_7 = tpu.memref_slice %arg5[%dma_start3A, %dma_start3A_6] : memref<4x128xi32, #tpu.memory_space<vmem>> -> memref<1x128xi32, #tpu.memory_space<vmem>>
    %dma_start3A_8 = tpu.memref_squeeze %dma_start3A_7 : memref<1x128xi32, #tpu.memory_space<vmem>> -> memref<128xi32, #tpu.memory_space<vmem>>
    %dma_start3A_9 = arith.constant 0 : i32
    %dma_start3A_10 = arith.constant 0 : i32
    %dma_start3A_11 = tpu.memref_slice %arg2[%dma_start3A_9, %dma_start3A_10] : memref<1024x64xf32, #tpu.memory_space<hbm>> -> memref<1024x64xf32, #tpu.memory_space<hbm>>
    tpu.enqueue_indirect_dma source(%dma_start3A_11 : memref<1024x64xf32, #tpu.memory_space<hbm>>) target(%dma_start3A_5 : memref<128x64xf32, #tpu.memory_space<vmem>>) offsets(%dma_start3A_8 : memref<128xi32, #tpu.memory_space<vmem>>) semaphore(%arg7 : memref<!tpu.dma_semaphore, #tpu.memory_space<semaphore_mem>>)
    %dma_wait3A = arith.constant 0 : i32
    %dma_wait3A_12 = arith.constant 0 : i32
    %dma_wait3A_13 = arith.constant 0 : i32
    %dma_wait3A_14 = tpu.memref_slice %arg6[%dma_wait3A_12, %dma_wait3A_13] : memref<512x64xf32, #tpu.memory_space<vmem>> -> memref<128x64xf32, #tpu.memory_space<vmem>>
    %dma_wait3A_15 = arith.constant 0 : i32
    %dma_wait3A_16 = tpu.memref_slice %arg5[%dma_wait3A, %dma_wait3A_15] : memref<4x128xi32, #tpu.memory_space<vmem>> -> memref<1x128xi32, #tpu.memory_space<vmem>>
    %dma_wait3A_17 = tpu.memref_squeeze %dma_wait3A_16 : memref<1x128xi32, #tpu.memory_space<vmem>> -> memref<128xi32, #tpu.memory_space<vmem>>
    %dma_wait3A_18 = arith.constant 0 : i32
    %dma_wait3A_19 = arith.constant 0 : i32
    %dma_wait3A_20 = tpu.memref_slice %arg2[%dma_wait3A_18, %dma_wait3A_19] : memref<1024x64xf32, #tpu.memory_space<hbm>> -> memref<1024x64xf32, #tpu.memory_space<hbm>>
    tpu.wait_indirect_dma semaphore(%arg7 : memref<!tpu.dma_semaphore, #tpu.memory_space<semaphore_mem>>) src(%dma_wait3A_20 : memref<1024x64xf32, #tpu.memory_space<hbm>>) dst(%dma_wait3A_14 : memref<128x64xf32, #tpu.memory_space<vmem>>)
    %dma_start3A_21 = arith.constant 1 : i32
    %dma_start3A_22 = arith.constant 128 : i32
    %dma_start3A_23 = arith.constant 0 : i32
    %dma_start3A_24 = tpu.memref_slice %arg6[%dma_start3A_22, %dma_start3A_23] : memref<512x64xf32, #tpu.memory_space<vmem>> -> memref<128x64xf32, #tpu.memory_space<vmem>>
    %dma_start3A_25 = arith.constant 0 : i32
    %dma_start3A_26 = tpu.memref_slice %arg5[%dma_start3A_21, %dma_start3A_25] : memref<4x128xi32, #tpu.memory_space<vmem>> -> memref<1x128xi32, #tpu.memory_space<vmem>>
    %dma_start3A_27 = tpu.memref_squeeze %dma_start3A_26 : memref<1x128xi32, #tpu.memory_space<vmem>> -> memref<128xi32, #tpu.memory_space<vmem>>
    %dma_start3A_28 = arith.constant 0 : i32
    %dma_start3A_29 = arith.constant 0 : i32
    %dma_start3A_30 = tpu.memref_slice %arg2[%dma_start3A_28, %dma_start3A_29] : memref<1024x64xf32, #tpu.memory_space<hbm>> -> memref<1024x64xf32, #tpu.memory_space<hbm>>
    tpu.enqueue_indirect_dma source(%dma_start3A_30 : memref<1024x64xf32, #tpu.memory_space<hbm>>) target(%dma_start3A_24 : memref<128x64xf32, #tpu.memory_space<vmem>>) offsets(%dma_start3A_27 : memref<128xi32, #tpu.memory_space<vmem>>) semaphore(%arg7 : memref<!tpu.dma_semaphore, #tpu.memory_space<semaphore_mem>>)
    %dma_wait3A_31 = arith.constant 1 : i32
    %dma_wait3A_32 = arith.constant 128 : i32
    %dma_wait3A_33 = arith.constant 0 : i32
    %dma_wait3A_34 = tpu.memref_slice %arg6[%dma_wait3A_32, %dma_wait3A_33] : memref<512x64xf32, #tpu.memory_space<vmem>> -> memref<128x64xf32, #tpu.memory_space<vmem>>
    %dma_wait3A_35 = arith.constant 0 : i32
    %dma_wait3A_36 = tpu.memref_slice %arg5[%dma_wait3A_31, %dma_wait3A_35] : memref<4x128xi32, #tpu.memory_space<vmem>> -> memref<1x128xi32, #tpu.memory_space<vmem>>
    %dma_wait3A_37 = tpu.memref_squeeze %dma_wait3A_36 : memref<1x128xi32, #tpu.memory_space<vmem>> -> memref<128xi32, #tpu.memory_space<vmem>>
    %dma_wait3A_38 = arith.constant 0 : i32
    %dma_wait3A_39 = arith.constant 0 : i32
    %dma_wait3A_40 = tpu.memref_slice %arg2[%dma_wait3A_38, %dma_wait3A_39] : memref<1024x64xf32, #tpu.memory_space<hbm>> -> memref<1024x64xf32, #tpu.memory_space<hbm>>
    tpu.wait_indirect_dma semaphore(%arg7 : memref<!tpu.dma_semaphore, #tpu.memory_space<semaphore_mem>>) src(%dma_wait3A_40 : memref<1024x64xf32, #tpu.memory_space<hbm>>) dst(%dma_wait3A_34 : memref<128x64xf32, #tpu.memory_space<vmem>>)
    %dma_start3A_41 = arith.constant 2 : i32
    %dma_start3A_42 = arith.constant 256 : i32
    %dma_start3A_43 = arith.constant 0 : i32
    %dma_start3A_44 = tpu.memref_slice %arg6[%dma_start3A_42, %dma_start3A_43] : memref<512x64xf32, #tpu.memory_space<vmem>> -> memref<128x64xf32, #tpu.memory_space<vmem>>
    %dma_start3A_45 = arith.constant 0 : i32
    %dma_start3A_46 = tpu.memref_slice %arg5[%dma_start3A_41, %dma_start3A_45] : memref<4x128xi32, #tpu.memory_space<vmem>> -> memref<1x128xi32, #tpu.memory_space<vmem>>
    %dma_start3A_47 = tpu.memref_squeeze %dma_start3A_46 : memref<1x128xi32, #tpu.memory_space<vmem>> -> memref<128xi32, #tpu.memory_space<vmem>>
    %dma_start3A_48 = arith.constant 0 : i32
    %dma_start3A_49 = arith.constant 0 : i32
    %dma_start3A_50 = tpu.memref_slice %arg2[%dma_start3A_48, %dma_start3A_49] : memref<1024x64xf32, #tpu.memory_space<hbm>> -> memref<1024x64xf32, #tpu.memory_space<hbm>>
    tpu.enqueue_indirect_dma source(%dma_start3A_50 : memref<1024x64xf32, #tpu.memory_space<hbm>>) target(%dma_start3A_44 : memref<128x64xf32, #tpu.memory_space<vmem>>) offsets(%dma_start3A_47 : memref<128xi32, #tpu.memory_space<vmem>>) semaphore(%arg7 : memref<!tpu.dma_semaphore, #tpu.memory_space<semaphore_mem>>)
    %dma_wait3A_51 = arith.constant 2 : i32
    %dma_wait3A_52 = arith.constant 256 : i32
    %dma_wait3A_53 = arith.constant 0 : i32
    %dma_wait3A_54 = tpu.memref_slice %arg6[%dma_wait3A_52, %dma_wait3A_53] : memref<512x64xf32, #tpu.memory_space<vmem>> -> memref<128x64xf32, #tpu.memory_space<vmem>>
    %dma_wait3A_55 = arith.constant 0 : i32
    %dma_wait3A_56 = tpu.memref_slice %arg5[%dma_wait3A_51, %dma_wait3A_55] : memref<4x128xi32, #tpu.memory_space<vmem>> -> memref<1x128xi32, #tpu.memory_space<vmem>>
    %dma_wait3A_57 = tpu.memref_squeeze %dma_wait3A_56 : memref<1x128xi32, #tpu.memory_space<vmem>> -> memref<128xi32, #tpu.memory_space<vmem>>
    %dma_wait3A_58 = arith.constant 0 : i32
    %dma_wait3A_59 = arith.constant 0 : i32
    %dma_wait3A_60 = tpu.memref_slice %arg2[%dma_wait3A_58, %dma_wait3A_59] : memref<1024x64xf32, #tpu.memory_space<hbm>> -> memref<1024x64xf32, #tpu.memory_space<hbm>>
    tpu.wait_indirect_dma semaphore(%arg7 : memref<!tpu.dma_semaphore, #tpu.memory_space<semaphore_mem>>) src(%dma_wait3A_60 : memref<1024x64xf32, #tpu.memory_space<hbm>>) dst(%dma_wait3A_54 : memref<128x64xf32, #tpu.memory_space<vmem>>)
    %dma_start3A_61 = arith.constant 3 : i32
    %dma_start3A_62 = arith.constant 384 : i32
    %dma_start3A_63 = arith.constant 0 : i32
    %dma_start3A_64 = tpu.memref_slice %arg6[%dma_start3A_62, %dma_start3A_63] : memref<512x64xf32, #tpu.memory_space<vmem>> -> memref<128x64xf32, #tpu.memory_space<vmem>>
    %dma_start3A_65 = arith.constant 0 : i32
    %dma_start3A_66 = tpu.memref_slice %arg5[%dma_start3A_61, %dma_start3A_65] : memref<4x128xi32, #tpu.memory_space<vmem>> -> memref<1x128xi32, #tpu.memory_space<vmem>>
    %dma_start3A_67 = tpu.memref_squeeze %dma_start3A_66 : memref<1x128xi32, #tpu.memory_space<vmem>> -> memref<128xi32, #tpu.memory_space<vmem>>
    %dma_start3A_68 = arith.constant 0 : i32
    %dma_start3A_69 = arith.constant 0 : i32
    %dma_start3A_70 = tpu.memref_slice %arg2[%dma_start3A_68, %dma_start3A_69] : memref<1024x64xf32, #tpu.memory_space<hbm>> -> memref<1024x64xf32, #tpu.memory_space<hbm>>
    tpu.enqueue_indirect_dma source(%dma_start3A_70 : memref<1024x64xf32, #tpu.memory_space<hbm>>) target(%dma_start3A_64 : memref<128x64xf32, #tpu.memory_space<vmem>>) offsets(%dma_start3A_67 : memref<128xi32, #tpu.memory_space<vmem>>) semaphore(%arg7 : memref<!tpu.dma_semaphore, #tpu.memory_space<semaphore_mem>>)
    %dma_wait3A_71 = arith.constant 3 : i32
    %dma_wait3A_72 = arith.constant 384 : i32
    %dma_wait3A_73 = arith.constant 0 : i32
    %dma_wait3A_74 = tpu.memref_slice %arg6[%dma_wait3A_72, %dma_wait3A_73] : memref<512x64xf32, #tpu.memory_space<vmem>> -> memref<128x64xf32, #tpu.memory_space<vmem>>
    %dma_wait3A_75 = arith.constant 0 : i32
    %dma_wait3A_76 = tpu.memref_slice %arg5[%dma_wait3A_71, %dma_wait3A_75] : memref<4x128xi32, #tpu.memory_space<vmem>> -> memref<1x128xi32, #tpu.memory_space<vmem>>
    %dma_wait3A_77 = tpu.memref_squeeze %dma_wait3A_76 : memref<1x128xi32, #tpu.memory_space<vmem>> -> memref<128xi32, #tpu.memory_space<vmem>>
    %dma_wait3A_78 = arith.constant 0 : i32
    %dma_wait3A_79 = arith.constant 0 : i32
    %dma_wait3A_80 = tpu.memref_slice %arg2[%dma_wait3A_78, %dma_wait3A_79] : memref<1024x64xf32, #tpu.memory_space<hbm>> -> memref<1024x64xf32, #tpu.memory_space<hbm>>
    tpu.wait_indirect_dma semaphore(%arg7 : memref<!tpu.dma_semaphore, #tpu.memory_space<semaphore_mem>>) src(%dma_wait3A_80 : memref<1024x64xf32, #tpu.memory_space<hbm>>) dst(%dma_wait3A_74 : memref<128x64xf32, #tpu.memory_space<vmem>>)
    %mul3A_81 = arith.constant 512 : i32
    %mul3A_82 = arith.muli %add3A, %mul3A_81 : i32
    "tpu.region"() ({
      %run_scoped3A = tpu.sem_alloc : memref<!tpu.dma_semaphore, #tpu.memory_space<semaphore_mem>>
      %dma_start3A_83 = arith.constant 0 : i32
      %dma_start3A_84 = tpu.memref_slice %arg4[%mul3A_82, %dma_start3A_83] : memref<16384x64xf32, #tpu.memory_space<hbm>> -> memref<512x64xf32, #tpu.memory_space<hbm>>
      %dma_start3A_85 = arith.constant 0 : i32
      %dma_start3A_86 = tpu.memref_slice %arg4[%mul3A_82, %dma_start3A_85] : memref<16384x64xf32, #tpu.memory_space<hbm>> -> memref<512x64xf32, #tpu.memory_space<hbm>>
      tpu.enqueue_dma source(%arg6 : memref<512x64xf32, #tpu.memory_space<vmem>>) target(%dma_start3A_86 : memref<512x64xf32, #tpu.memory_space<hbm>>) target_semaphore(%run_scoped3A : memref<!tpu.dma_semaphore, #tpu.memory_space<semaphore_mem>>)
      %dma_wait3A_87 = arith.constant 0 : i32
      %dma_wait3A_88 = tpu.memref_slice %arg4[%mul3A_82, %dma_wait3A_87] : memref<16384x64xf32, #tpu.memory_space<hbm>> -> memref<512x64xf32, #tpu.memory_space<hbm>>
      %dma_wait3A_89 = arith.constant 0 : i32
      %dma_wait3A_90 = tpu.memref_slice %arg4[%mul3A_82, %dma_wait3A_89] : memref<16384x64xf32, #tpu.memory_space<hbm>> -> memref<512x64xf32, #tpu.memory_space<hbm>>
      tpu.wait_dma2 semaphore(%run_scoped3A : memref<!tpu.dma_semaphore, #tpu.memory_space<semaphore_mem>>) src(%arg6 : memref<512x64xf32, #tpu.memory_space<vmem>>) dst(%dma_wait3A_90 : memref<512x64xf32, #tpu.memory_space<hbm>>)
      tpu.yield
    }) : () -> ()
    return
  }
}

module attributes {stable_mosaic.version = 14 : i64} {
  func.func @_rot_dist_block(%arg0: i32, %arg1: memref<2x64x1024xf32, #tpu.memory_space<vmem>>, %arg2: memref<64x64xf32, #tpu.memory_space<vmem>>, %arg3: memref<1024x64xf32, #tpu.memory_space<vmem>>, %arg4: memref<1x1024xf32, #tpu.memory_space<vmem>>, %arg5: memref<2048x64xf32, #tpu.memory_space<vmem>>, %arg6: memref<2048x1xi32, #tpu.memory_space<vmem>>) attributes {dimension_semantics = [#tpu.dimension_semantics<arbitrary>], iteration_bounds = array<i64: 8>, scalar_prefetch = 0 : i64, scratch_operands = 0 : i64, tpu.core_type = #tpu.core_type<tc>, window_params = [{transform_indices = @transform_0, window_bounds = array<i64: 2, 64, 1024>}, {pipeline_mode = #tpu.pipeline_mode<synchronous>, transform_indices = @transform_1, window_bounds = array<i64: 64, 64>}, {pipeline_mode = #tpu.pipeline_mode<synchronous>, transform_indices = @transform_2, window_bounds = array<i64: 1024, 64>}, {pipeline_mode = #tpu.pipeline_mode<synchronous>, transform_indices = @transform_3, window_bounds = array<i64: 1, 1024>}, {transform_indices = @transform_4, window_bounds = array<i64: 2048, 64>}, {transform_indices = @transform_5, window_bounds = array<i64: 2048, 1>}]} {
    %get3A = arith.constant 0 : index
    %get3A_0 = arith.constant 0 : index
    %get3A_1 = arith.constant 0 : index
    %get3A_2 = vector.load %arg1[%get3A, %get3A_0, %get3A_1] : memref<2x64x1024xf32, #tpu.memory_space<vmem>>, vector<1x64x1024xf32>
    %get3A_3 = vector.shape_cast %get3A_2 : vector<1x64x1024xf32> to vector<64x1024xf32>
    %transpose3A = tpu.transpose %get3A_3, [1, 0] : vector<64x1024xf32> -> vector<1024x64xf32>
    %get3A_4 = arith.constant 1 : index
    %get3A_5 = arith.constant 0 : index
    %get3A_6 = arith.constant 0 : index
    %get3A_7 = vector.load %arg1[%get3A_4, %get3A_5, %get3A_6] : memref<2x64x1024xf32, #tpu.memory_space<vmem>>, vector<1x64x1024xf32>
    %get3A_8 = vector.shape_cast %get3A_7 : vector<1x64x1024xf32> to vector<64x1024xf32>
    %transpose3A_9 = tpu.transpose %get3A_8, [1, 0] : vector<64x1024xf32> -> vector<1024x64xf32>
    %concatenate3A = tpu.concatenate %transpose3A, %transpose3A_9 in 0 : vector<1024x64xf32>, vector<1024x64xf32> -> vector<2048x64xf32>
    %get3A_10 = arith.constant 0 : index
    %get3A_11 = arith.constant 0 : index
    %get3A_12 = vector.load %arg2[%get3A_10, %get3A_11] : memref<64x64xf32, #tpu.memory_space<vmem>>, vector<64x64xf32>
    %dot_general3A = arith.constant dense<0.000000e+00> : vector<2048x64xf32>
    %dot_general3A_13 = tpu.matmul %concatenate3A, %get3A_12, %dot_general3A {dimension_numbers = #tpu.dot_dimension_numbers<[1], [0], [0], [1], [0, 0, 1, 1], [], []>, transpose_lhs_hint = false} : vector<2048x64xf32>, vector<64x64xf32>, vector<2048x64xf32> -> vector<2048x64xf32>
    %swap3A = arith.constant 0 : index
    %swap3A_14 = arith.constant 0 : index
    %swap3A_15 = vector.load %arg5[%swap3A, %swap3A_14] : memref<2048x64xf32, #tpu.memory_space<vmem>>, vector<2048x64xf32>
    tpu.vector_store %arg5[%swap3A, %swap3A_14], %dot_general3A_13 {strides = array<i32>} : memref<2048x64xf32, #tpu.memory_space<vmem>>, vector<2048x64xf32>,
    %get3A_16 = arith.constant 0 : index
    %get3A_17 = arith.constant 0 : index
    %get3A_18 = vector.load %arg3[%get3A_16, %get3A_17] : memref<1024x64xf32, #tpu.memory_space<vmem>>, vector<1024x64xf32>
    %get3A_19 = arith.constant 0 : index
    %get3A_20 = arith.constant 0 : index
    %get3A_21 = vector.load %arg4[%get3A_19, %get3A_20] : memref<1x1024xf32, #tpu.memory_space<vmem>>, vector<1x1024xf32>
    %dot_general3A_22 = arith.constant dense<0.000000e+00> : vector<2048x1024xf32>
    %dot_general3A_23 = tpu.matmul %dot_general3A_13, %get3A_18, %dot_general3A_22 {dimension_numbers = #tpu.dot_dimension_numbers<[1], [1], [0], [0], [0, 0, 1, 0], [], []>, transpose_lhs_hint = false} : vector<2048x64xf32>, vector<1024x64xf32>, vector<2048x1024xf32> -> vector<2048x1024xf32>
    %mul3A = arith.mulf %dot_general3A_13, %dot_general3A_13 : vector<2048x64xf32>
    %reduce_sum3A = arith.constant dense<0.000000e+00> : vector<2048xf32>
    %reduce_sum3A_24 = vector.multi_reduction <add>, %mul3A, %reduce_sum3A [1] : vector<2048x64xf32> to vector<2048xf32>
    %broadcast_in_dim3A = vector.shape_cast %reduce_sum3A_24 : vector<2048xf32> to vector<2048x1xf32>
    %add3A = vector.broadcast %broadcast_in_dim3A : vector<2048x1xf32> to vector<2048x1024xf32>
    %add3A_25 = vector.broadcast %get3A_21 : vector<1x1024xf32> to vector<2048x1024xf32>
    %add3A_26 = arith.addf %add3A, %add3A_25 : vector<2048x1024xf32>
    %add3A_27 = arith.addf %add3A_26, %dot_general3A_23 : vector<2048x1024xf32>
    %reduce_min3A = arith.constant dense<0x7F800000> : vector<2048xf32>
    %reduce_min3A_28 = vector.multi_reduction <minimumf>, %add3A_27, %reduce_min3A [1] : vector<2048x1024xf32> to vector<2048xf32>
    %broadcast_in_dim3A_29 = vector.shape_cast %reduce_min3A_28 : vector<2048xf32> to vector<2048x1xf32>
    %iota3A = tpu.iota {dimensions = array<i32: 1>} : vector<2048x1024xi32>
    %le3A = vector.broadcast %broadcast_in_dim3A_29 : vector<2048x1xf32> to vector<2048x1024xf32>
    %le3A_30 = arith.cmpf ole, %add3A_27, %le3A : vector<2048x1024xf32>
    %jit3A = arith.constant 1024 : i32
    %broadcast_in_dim3A_31 = vector.broadcast %jit3A : i32 to vector<2048x1024xi32>
    %select_n3A = arith.select %le3A_30, %iota3A, %broadcast_in_dim3A_31 : vector<2048x1024xi1>, vector<2048x1024xi32>
    %reduce_min3A_32 = arith.constant dense<2147483647> : vector<2048xi32>
    %reduce_min3A_33 = vector.multi_reduction <minsi>, %select_n3A, %reduce_min3A_32 [1] : vector<2048x1024xi32> to vector<2048xi32>
    %broadcast_in_dim3A_34 = vector.shape_cast %reduce_min3A_33 : vector<2048xi32> to vector<2048x1xi32>
    %swap3A_35 = arith.constant 0 : index
    %swap3A_36 = arith.constant 0 : index
    %swap3A_37 = vector.load %arg6[%swap3A_35, %swap3A_36] : memref<2048x1xi32, #tpu.memory_space<vmem>>, vector<2048x1xi32>
    tpu.vector_store %arg6[%swap3A_35, %swap3A_36], %broadcast_in_dim3A_34 {strides = array<i32>} : memref<2048x1xi32, #tpu.memory_space<vmem>>, vector<2048x1xi32>,
    return
  }
  func.func @transform_0(%arg0: i32) -> (i32, i32, i32) {
    %c0_i32 = arith.constant 0 : i32
    %c0_i32_0 = arith.constant 0 : i32
    %c0_i32_1 = arith.constant 0 : i32
    return %arg0, %c0_i32, %c0_i32_0 : i32, i32, i32
  }
  func.func @transform_1(%arg0: i32) -> (i32, i32) {
    %c0_i32 = arith.constant 0 : i32
    %c0_i32_0 = arith.constant 0 : i32
    %c0_i32_1 = arith.constant 0 : i32
    return %c0_i32, %c0_i32_0 : i32, i32
  }
  func.func @transform_2(%arg0: i32) -> (i32, i32) {
    %c0_i32 = arith.constant 0 : i32
    %c0_i32_0 = arith.constant 0 : i32
    %c0_i32_1 = arith.constant 0 : i32
    return %c0_i32, %c0_i32_0 : i32, i32
  }
  func.func @transform_3(%arg0: i32) -> (i32, i32) {
    %c0_i32 = arith.constant 0 : i32
    %c0_i32_0 = arith.constant 0 : i32
    %c0_i32_1 = arith.constant 0 : i32
    return %c0_i32, %c0_i32_0 : i32, i32
  }
  func.func @transform_4(%arg0: i32) -> (i32, i32) {
    %c0_i32 = arith.constant 0 : i32
    %c0_i32_0 = arith.constant 0 : i32
    return %arg0, %c0_i32 : i32, i32
  }
  func.func @transform_5(%arg0: i32) -> (i32, i32) {
    %c0_i32 = arith.constant 0 : i32
    %c0_i32_0 = arith.constant 0 : i32
    return %arg0, %c0_i32 : i32, i32
  }
}

module attributes {stable_mosaic.version = 14 : i64} {
  func.func @_dist_block(%arg0: i32, %arg1: memref<2048x64xf32, #tpu.memory_space<vmem>>, %arg2: memref<2048x64xf32, #tpu.memory_space<vmem>>, %arg3: memref<1024x64xf32, #tpu.memory_space<vmem>>, %arg4: memref<1x1024xf32, #tpu.memory_space<vmem>>, %arg5: memref<2048x64xf32, #tpu.memory_space<vmem>>, %arg6: memref<2048x1xi32, #tpu.memory_space<vmem>>) attributes {dimension_semantics = [#tpu.dimension_semantics<arbitrary>], iteration_bounds = array<i64: 8>, scalar_prefetch = 0 : i64, scratch_operands = 0 : i64, tpu.core_type = #tpu.core_type<tc>, window_params = [{transform_indices = @transform_0, window_bounds = array<i64: 2048, 64>}, {transform_indices = @transform_1, window_bounds = array<i64: 2048, 64>}, {pipeline_mode = #tpu.pipeline_mode<synchronous>, transform_indices = @transform_2, window_bounds = array<i64: 1024, 64>}, {pipeline_mode = #tpu.pipeline_mode<synchronous>, transform_indices = @transform_3, window_bounds = array<i64: 1, 1024>}, {transform_indices = @transform_4, window_bounds = array<i64: 2048, 64>}, {transform_indices = @transform_5, window_bounds = array<i64: 2048, 1>}]} {
    %get3A = arith.constant 0 : index
    %get3A_0 = arith.constant 0 : index
    %get3A_1 = vector.load %arg1[%get3A, %get3A_0] : memref<2048x64xf32, #tpu.memory_space<vmem>>, vector<2048x64xf32>
    %get3A_2 = arith.constant 0 : index
    %get3A_3 = arith.constant 0 : index
    %get3A_4 = vector.load %arg2[%get3A_2, %get3A_3] : memref<2048x64xf32, #tpu.memory_space<vmem>>, vector<2048x64xf32>
    %sub3A = arith.subf %get3A_1, %get3A_4 : vector<2048x64xf32>
    %swap3A = arith.constant 0 : index
    %swap3A_5 = arith.constant 0 : index
    %swap3A_6 = vector.load %arg5[%swap3A, %swap3A_5] : memref<2048x64xf32, #tpu.memory_space<vmem>>, vector<2048x64xf32>
    tpu.vector_store %arg5[%swap3A, %swap3A_5], %sub3A {strides = array<i32>} : memref<2048x64xf32, #tpu.memory_space<vmem>>, vector<2048x64xf32>,
    %get3A_7 = arith.constant 0 : index
    %get3A_8 = arith.constant 0 : index
    %get3A_9 = vector.load %arg3[%get3A_7, %get3A_8] : memref<1024x64xf32, #tpu.memory_space<vmem>>, vector<1024x64xf32>
    %get3A_10 = arith.constant 0 : index
    %get3A_11 = arith.constant 0 : index
    %get3A_12 = vector.load %arg4[%get3A_10, %get3A_11] : memref<1x1024xf32, #tpu.memory_space<vmem>>, vector<1x1024xf32>
    %dot_general3A = arith.constant dense<0.000000e+00> : vector<2048x1024xf32>
    %dot_general3A_13 = tpu.matmul %sub3A, %get3A_9, %dot_general3A {dimension_numbers = #tpu.dot_dimension_numbers<[1], [1], [0], [0], [0, 0, 1, 0], [], []>, transpose_lhs_hint = false} : vector<2048x64xf32>, vector<1024x64xf32>, vector<2048x1024xf32> -> vector<2048x1024xf32>
    %mul3A = arith.mulf %sub3A, %sub3A : vector<2048x64xf32>
    %reduce_sum3A = arith.constant dense<0.000000e+00> : vector<2048xf32>
    %reduce_sum3A_14 = vector.multi_reduction <add>, %mul3A, %reduce_sum3A [1] : vector<2048x64xf32> to vector<2048xf32>
    %broadcast_in_dim3A = vector.shape_cast %reduce_sum3A_14 : vector<2048xf32> to vector<2048x1xf32>
    %add3A = vector.broadcast %broadcast_in_dim3A : vector<2048x1xf32> to vector<2048x1024xf32>
    %add3A_15 = vector.broadcast %get3A_12 : vector<1x1024xf32> to vector<2048x1024xf32>
    %add3A_16 = arith.addf %add3A, %add3A_15 : vector<2048x1024xf32>
    %add3A_17 = arith.addf %add3A_16, %dot_general3A_13 : vector<2048x1024xf32>
    %reduce_min3A = arith.constant dense<0x7F800000> : vector<2048xf32>
    %reduce_min3A_18 = vector.multi_reduction <minimumf>, %add3A_17, %reduce_min3A [1] : vector<2048x1024xf32> to vector<2048xf32>
    %broadcast_in_dim3A_19 = vector.shape_cast %reduce_min3A_18 : vector<2048xf32> to vector<2048x1xf32>
    %iota3A = tpu.iota {dimensions = array<i32: 1>} : vector<2048x1024xi32>
    %le3A = vector.broadcast %broadcast_in_dim3A_19 : vector<2048x1xf32> to vector<2048x1024xf32>
    %le3A_20 = arith.cmpf ole, %add3A_17, %le3A : vector<2048x1024xf32>
    %jit3A = arith.constant 1024 : i32
    %broadcast_in_dim3A_21 = vector.broadcast %jit3A : i32 to vector<2048x1024xi32>
    %select_n3A = arith.select %le3A_20, %iota3A, %broadcast_in_dim3A_21 : vector<2048x1024xi1>, vector<2048x1024xi32>
    %reduce_min3A_22 = arith.constant dense<2147483647> : vector<2048xi32>
    %reduce_min3A_23 = vector.multi_reduction <minsi>, %select_n3A, %reduce_min3A_22 [1] : vector<2048x1024xi32> to vector<2048xi32>
    %broadcast_in_dim3A_24 = vector.shape_cast %reduce_min3A_23 : vector<2048xi32> to vector<2048x1xi32>
    %swap3A_25 = arith.constant 0 : index
    %swap3A_26 = arith.constant 0 : index
    %swap3A_27 = vector.load %arg6[%swap3A_25, %swap3A_26] : memref<2048x1xi32, #tpu.memory_space<vmem>>, vector<2048x1xi32>
    tpu.vector_store %arg6[%swap3A_25, %swap3A_26], %broadcast_in_dim3A_24 {strides = array<i32>} : memref<2048x1xi32, #tpu.memory_space<vmem>>, vector<2048x1xi32>,
    return
  }
  func.func @transform_0(%arg0: i32) -> (i32, i32) {
    %c0_i32 = arith.constant 0 : i32
    %c0_i32_0 = arith.constant 0 : i32
    return %arg0, %c0_i32 : i32, i32
  }
  func.func @transform_1(%arg0: i32) -> (i32, i32) {
    %c0_i32 = arith.constant 0 : i32
    %c0_i32_0 = arith.constant 0 : i32
    return %arg0, %c0_i32 : i32, i32
  }
  func.func @transform_2(%arg0: i32) -> (i32, i32) {
    %c0_i32 = arith.constant 0 : i32
    %c0_i32_0 = arith.constant 0 : i32
    %c0_i32_1 = arith.constant 0 : i32
    return %c0_i32, %c0_i32_0 : i32, i32
  }
  func.func @transform_3(%arg0: i32) -> (i32, i32) {
    %c0_i32 = arith.constant 0 : i32
    %c0_i32_0 = arith.constant 0 : i32
    %c0_i32_1 = arith.constant 0 : i32
    return %c0_i32, %c0_i32_0 : i32, i32
  }
  func.func @transform_4(%arg0: i32) -> (i32, i32) {
    %c0_i32 = arith.constant 0 : i32
    %c0_i32_0 = arith.constant 0 : i32
    return %arg0, %c0_i32 : i32, i32
  }
  func.func @transform_5(%arg0: i32) -> (i32, i32) {
    %c0_i32 = arith.constant 0 : i32
    %c0_i32_0 = arith.constant 0 : i32
    return %arg0, %c0_i32 : i32, i32
  }
}

module attributes {stable_mosaic.version = 14 : i64} {
  func.func @_dist_block(%arg0: i32, %arg1: memref<2048x64xf32, #tpu.memory_space<vmem>>, %arg2: memref<2048x64xf32, #tpu.memory_space<vmem>>, %arg3: memref<1024x64xf32, #tpu.memory_space<vmem>>, %arg4: memref<1x1024xf32, #tpu.memory_space<vmem>>, %arg5: memref<2048x64xf32, #tpu.memory_space<vmem>>, %arg6: memref<2048x1xi32, #tpu.memory_space<vmem>>) attributes {dimension_semantics = [#tpu.dimension_semantics<arbitrary>], iteration_bounds = array<i64: 8>, scalar_prefetch = 0 : i64, scratch_operands = 0 : i64, tpu.core_type = #tpu.core_type<tc>, window_params = [{transform_indices = @transform_0, window_bounds = array<i64: 2048, 64>}, {transform_indices = @transform_1, window_bounds = array<i64: 2048, 64>}, {pipeline_mode = #tpu.pipeline_mode<synchronous>, transform_indices = @transform_2, window_bounds = array<i64: 1024, 64>}, {pipeline_mode = #tpu.pipeline_mode<synchronous>, transform_indices = @transform_3, window_bounds = array<i64: 1, 1024>}, {transform_indices = @transform_4, window_bounds = array<i64: 2048, 64>}, {transform_indices = @transform_5, window_bounds = array<i64: 2048, 1>}]} {
    %get3A = arith.constant 0 : index
    %get3A_0 = arith.constant 0 : index
    %get3A_1 = vector.load %arg1[%get3A, %get3A_0] : memref<2048x64xf32, #tpu.memory_space<vmem>>, vector<2048x64xf32>
    %get3A_2 = arith.constant 0 : index
    %get3A_3 = arith.constant 0 : index
    %get3A_4 = vector.load %arg2[%get3A_2, %get3A_3] : memref<2048x64xf32, #tpu.memory_space<vmem>>, vector<2048x64xf32>
    %sub3A = arith.subf %get3A_1, %get3A_4 : vector<2048x64xf32>
    %swap3A = arith.constant 0 : index
    %swap3A_5 = arith.constant 0 : index
    %swap3A_6 = vector.load %arg5[%swap3A, %swap3A_5] : memref<2048x64xf32, #tpu.memory_space<vmem>>, vector<2048x64xf32>
    tpu.vector_store %arg5[%swap3A, %swap3A_5], %sub3A {strides = array<i32>} : memref<2048x64xf32, #tpu.memory_space<vmem>>, vector<2048x64xf32>,
    %get3A_7 = arith.constant 0 : index
    %get3A_8 = arith.constant 0 : index
    %get3A_9 = vector.load %arg3[%get3A_7, %get3A_8] : memref<1024x64xf32, #tpu.memory_space<vmem>>, vector<1024x64xf32>
    %get3A_10 = arith.constant 0 : index
    %get3A_11 = arith.constant 0 : index
    %get3A_12 = vector.load %arg4[%get3A_10, %get3A_11] : memref<1x1024xf32, #tpu.memory_space<vmem>>, vector<1x1024xf32>
    %dot_general3A = arith.constant dense<0.000000e+00> : vector<2048x1024xf32>
    %dot_general3A_13 = tpu.matmul %sub3A, %get3A_9, %dot_general3A {dimension_numbers = #tpu.dot_dimension_numbers<[1], [1], [0], [0], [0, 0, 1, 0], [], []>, transpose_lhs_hint = false} : vector<2048x64xf32>, vector<1024x64xf32>, vector<2048x1024xf32> -> vector<2048x1024xf32>
    %mul3A = arith.mulf %sub3A, %sub3A : vector<2048x64xf32>
    %reduce_sum3A = arith.constant dense<0.000000e+00> : vector<2048xf32>
    %reduce_sum3A_14 = vector.multi_reduction <add>, %mul3A, %reduce_sum3A [1] : vector<2048x64xf32> to vector<2048xf32>
    %broadcast_in_dim3A = vector.shape_cast %reduce_sum3A_14 : vector<2048xf32> to vector<2048x1xf32>
    %add3A = vector.broadcast %broadcast_in_dim3A : vector<2048x1xf32> to vector<2048x1024xf32>
    %add3A_15 = vector.broadcast %get3A_12 : vector<1x1024xf32> to vector<2048x1024xf32>
    %add3A_16 = arith.addf %add3A, %add3A_15 : vector<2048x1024xf32>
    %add3A_17 = arith.addf %add3A_16, %dot_general3A_13 : vector<2048x1024xf32>
    %reduce_min3A = arith.constant dense<0x7F800000> : vector<2048xf32>
    %reduce_min3A_18 = vector.multi_reduction <minimumf>, %add3A_17, %reduce_min3A [1] : vector<2048x1024xf32> to vector<2048xf32>
    %broadcast_in_dim3A_19 = vector.shape_cast %reduce_min3A_18 : vector<2048xf32> to vector<2048x1xf32>
    %iota3A = tpu.iota {dimensions = array<i32: 1>} : vector<2048x1024xi32>
    %le3A = vector.broadcast %broadcast_in_dim3A_19 : vector<2048x1xf32> to vector<2048x1024xf32>
    %le3A_20 = arith.cmpf ole, %add3A_17, %le3A : vector<2048x1024xf32>
    %jit3A = arith.constant 1024 : i32
    %broadcast_in_dim3A_21 = vector.broadcast %jit3A : i32 to vector<2048x1024xi32>
    %select_n3A = arith.select %le3A_20, %iota3A, %broadcast_in_dim3A_21 : vector<2048x1024xi1>, vector<2048x1024xi32>
    %reduce_min3A_22 = arith.constant dense<2147483647> : vector<2048xi32>
    %reduce_min3A_23 = vector.multi_reduction <minsi>, %select_n3A, %reduce_min3A_22 [1] : vector<2048x1024xi32> to vector<2048xi32>
    %broadcast_in_dim3A_24 = vector.shape_cast %reduce_min3A_23 : vector<2048xi32> to vector<2048x1xi32>
    %swap3A_25 = arith.constant 0 : index
    %swap3A_26 = arith.constant 0 : index
    %swap3A_27 = vector.load %arg6[%swap3A_25, %swap3A_26] : memref<2048x1xi32, #tpu.memory_space<vmem>>, vector<2048x1xi32>
    tpu.vector_store %arg6[%swap3A_25, %swap3A_26], %broadcast_in_dim3A_24 {strides = array<i32>} : memref<2048x1xi32, #tpu.memory_space<vmem>>, vector<2048x1xi32>,
    return
  }
  func.func @transform_0(%arg0: i32) -> (i32, i32) {
    %c0_i32 = arith.constant 0 : i32
    %c0_i32_0 = arith.constant 0 : i32
    return %arg0, %c0_i32 : i32, i32
  }
  func.func @transform_1(%arg0: i32) -> (i32, i32) {
    %c0_i32 = arith.constant 0 : i32
    %c0_i32_0 = arith.constant 0 : i32
    return %arg0, %c0_i32 : i32, i32
  }
  func.func @transform_2(%arg0: i32) -> (i32, i32) {
    %c0_i32 = arith.constant 0 : i32
    %c0_i32_0 = arith.constant 0 : i32
    %c0_i32_1 = arith.constant 0 : i32
    return %c0_i32, %c0_i32_0 : i32, i32
  }
  func.func @transform_3(%arg0: i32) -> (i32, i32) {
    %c0_i32 = arith.constant 0 : i32
    %c0_i32_0 = arith.constant 0 : i32
    %c0_i32_1 = arith.constant 0 : i32
    return %c0_i32, %c0_i32_0 : i32, i32
  }
  func.func @transform_4(%arg0: i32) -> (i32, i32) {
    %c0_i32 = arith.constant 0 : i32
    %c0_i32_0 = arith.constant 0 : i32
    return %arg0, %c0_i32 : i32, i32
  }
  func.func @transform_5(%arg0: i32) -> (i32, i32) {
    %c0_i32 = arith.constant 0 : i32
    %c0_i32_0 = arith.constant 0 : i32
    return %arg0, %c0_i32 : i32, i32
  }
}

module attributes {stable_mosaic.version = 14 : i64} {
  func.func @_final_block(%arg0: i32, %arg1: memref<2048x64xf32, #tpu.memory_space<vmem>>, %arg2: memref<2048x64xf32, #tpu.memory_space<vmem>>, %arg3: memref<2048x64xf32, #tpu.memory_space<vmem>>, %arg4: memref<2048x64xf32, #tpu.memory_space<vmem>>, %arg5: memref<2048x64xf32, #tpu.memory_space<vmem>>, %arg6: memref<2048x1xi32, #tpu.memory_space<vmem>>, %arg7: memref<2048x1xi32, #tpu.memory_space<vmem>>, %arg8: memref<2048x1xi32, #tpu.memory_space<vmem>>, %arg9: memref<2048x1xi32, #tpu.memory_space<vmem>>, %arg10: memref<2048x64xf32, #tpu.memory_space<vmem>>, %arg11: memref<1x1x128xf32, #tpu.memory_space<vmem>>) attributes {dimension_semantics = [#tpu.dimension_semantics<arbitrary>], iteration_bounds = array<i64: 8>, scalar_prefetch = 0 : i64, scratch_operands = 0 : i64, tpu.core_type = #tpu.core_type<tc>, window_params = [{transform_indices = @transform_0, window_bounds = array<i64: 2048, 64>}, {transform_indices = @transform_1, window_bounds = array<i64: 2048, 64>}, {transform_indices = @transform_2, window_bounds = array<i64: 2048, 64>}, {transform_indices = @transform_3, window_bounds = array<i64: 2048, 64>}, {transform_indices = @transform_4, window_bounds = array<i64: 2048, 64>}, {transform_indices = @transform_5, window_bounds = array<i64: 2048, 1>}, {transform_indices = @transform_6, window_bounds = array<i64: 2048, 1>}, {transform_indices = @transform_7, window_bounds = array<i64: 2048, 1>}, {transform_indices = @transform_8, window_bounds = array<i64: 2048, 1>}, {transform_indices = @transform_9, window_bounds = array<i64: 2048, 64>}, {transform_indices = @transform_10, window_bounds = array<i64: 1, 1, 128>}]} {
    %get3A = arith.constant 0 : index
    %get3A_0 = arith.constant 0 : index
    %get3A_1 = vector.load %arg2[%get3A, %get3A_0] : memref<2048x64xf32, #tpu.memory_space<vmem>>, vector<2048x64xf32>
    %get3A_2 = arith.constant 0 : index
    %get3A_3 = arith.constant 0 : index
    %get3A_4 = vector.load %arg3[%get3A_2, %get3A_3] : memref<2048x64xf32, #tpu.memory_space<vmem>>, vector<2048x64xf32>
    %add3A = arith.addf %get3A_1, %get3A_4 : vector<2048x64xf32>
    %get3A_5 = arith.constant 0 : index
    %get3A_6 = arith.constant 0 : index
    %get3A_7 = vector.load %arg4[%get3A_5, %get3A_6] : memref<2048x64xf32, #tpu.memory_space<vmem>>, vector<2048x64xf32>
    %add3A_8 = arith.addf %add3A, %get3A_7 : vector<2048x64xf32>
    %get3A_9 = arith.constant 0 : index
    %get3A_10 = arith.constant 0 : index
    %get3A_11 = vector.load %arg5[%get3A_9, %get3A_10] : memref<2048x64xf32, #tpu.memory_space<vmem>>, vector<2048x64xf32>
    %add3A_12 = arith.addf %add3A_8, %get3A_11 : vector<2048x64xf32>
    %get3A_13 = arith.constant 0 : index
    %get3A_14 = arith.constant 0 : index
    %get3A_15 = vector.load %arg1[%get3A_13, %get3A_14] : memref<2048x64xf32, #tpu.memory_space<vmem>>, vector<2048x64xf32>
    %sub3A = arith.subf %add3A_12, %get3A_15 : vector<2048x64xf32>
    %add3A_16 = arith.addf %get3A_15, %sub3A : vector<2048x64xf32>
    %swap3A = arith.constant 0 : index
    %swap3A_17 = arith.constant 0 : index
    %swap3A_18 = vector.load %arg10[%swap3A, %swap3A_17] : memref<2048x64xf32, #tpu.memory_space<vmem>>, vector<2048x64xf32>
    tpu.vector_store %arg10[%swap3A, %swap3A_17], %add3A_16 {strides = array<i32>} : memref<2048x64xf32, #tpu.memory_space<vmem>>, vector<2048x64xf32>,
    %get3A_19 = arith.constant 0 : index
    %get3A_20 = arith.constant 0 : index
    %get3A_21 = vector.load %arg6[%get3A_19, %get3A_20] : memref<2048x1xi32, #tpu.memory_space<vmem>>, vector<2048x1xi32>
    %get3A_22 = arith.constant 0 : index
    %get3A_23 = arith.constant 0 : index
    %get3A_24 = vector.load %arg7[%get3A_22, %get3A_23] : memref<2048x1xi32, #tpu.memory_space<vmem>>, vector<2048x1xi32>
    %get3A_25 = arith.constant 0 : index
    %get3A_26 = arith.constant 0 : index
    %get3A_27 = vector.load %arg8[%get3A_25, %get3A_26] : memref<2048x1xi32, #tpu.memory_space<vmem>>, vector<2048x1xi32>
    %get3A_28 = arith.constant 0 : index
    %get3A_29 = arith.constant 0 : index
    %get3A_30 = vector.load %arg9[%get3A_28, %get3A_29] : memref<2048x1xi32, #tpu.memory_space<vmem>>, vector<2048x1xi32>
    %broadcast_in_dim3A = arith.constant 0.000000e+00 : f32
    %broadcast_in_dim3A_31 = vector.broadcast %broadcast_in_dim3A : f32 to vector<2048x1xf32>
    %broadcast_in_dim3A_32 = arith.constant 0.000000e+00 : f32
    %broadcast_in_dim3A_33 = vector.broadcast %broadcast_in_dim3A_32 : f32 to vector<2048x1xf32>
    %eq3A = arith.cmpi eq, %get3A_21, %get3A_21 : vector<2048x1xi32>
    %convert_element_type3A = arith.extui %eq3A : vector<2048x1xi1> to vector<2048x1xi32>
    %convert_element_type3A_34 = arith.sitofp %convert_element_type3A : vector<2048x1xi32> to vector<2048x1xf32>
    %add3A_35 = arith.addf %broadcast_in_dim3A_33, %convert_element_type3A_34 : vector<2048x1xf32>
    %eq3A_36 = arith.cmpi eq, %get3A_21, %get3A_24 : vector<2048x1xi32>
    %convert_element_type3A_37 = arith.extui %eq3A_36 : vector<2048x1xi1> to vector<2048x1xi32>
    %convert_element_type3A_38 = arith.sitofp %convert_element_type3A_37 : vector<2048x1xi32> to vector<2048x1xf32>
    %add3A_39 = arith.addf %add3A_35, %convert_element_type3A_38 : vector<2048x1xf32>
    %eq3A_40 = arith.cmpi eq, %get3A_21, %get3A_27 : vector<2048x1xi32>
    %convert_element_type3A_41 = arith.extui %eq3A_40 : vector<2048x1xi1> to vector<2048x1xi32>
    %convert_element_type3A_42 = arith.sitofp %convert_element_type3A_41 : vector<2048x1xi32> to vector<2048x1xf32>
    %add3A_43 = arith.addf %add3A_39, %convert_element_type3A_42 : vector<2048x1xf32>
    %eq3A_44 = arith.cmpi eq, %get3A_21, %get3A_30 : vector<2048x1xi32>
    %convert_element_type3A_45 = arith.extui %eq3A_44 : vector<2048x1xi1> to vector<2048x1xi32>
    %convert_element_type3A_46 = arith.sitofp %convert_element_type3A_45 : vector<2048x1xi32> to vector<2048x1xf32>
    %add3A_47 = arith.addf %add3A_43, %convert_element_type3A_46 : vector<2048x1xf32>
    %mul3A = arith.constant 2.500000e-01 : f32
    %mul3A_48 = vector.broadcast %mul3A : f32 to vector<2048x1xf32>
    %mul3A_49 = arith.mulf %add3A_47, %mul3A_48 : vector<2048x1xf32>
    %add3A_50 = arith.constant 1.000000e-10 : f32
    %add3A_51 = vector.broadcast %add3A_50 : f32 to vector<2048x1xf32>
    %add3A_52 = arith.addf %mul3A_49, %add3A_51 : vector<2048x1xf32>
    %log3A = math.log %add3A_52 : vector<2048x1xf32>
    %mul3A_53 = arith.constant 2.500000e-01 : f32
    %mul3A_54 = vector.broadcast %mul3A_53 : f32 to vector<2048x1xf32>
    %mul3A_55 = arith.mulf %mul3A_54, %log3A : vector<2048x1xf32>
    %sub3A_56 = arith.subf %broadcast_in_dim3A_31, %mul3A_55 : vector<2048x1xf32>
    %broadcast_in_dim3A_57 = arith.constant 0.000000e+00 : f32
    %broadcast_in_dim3A_58 = vector.broadcast %broadcast_in_dim3A_57 : f32 to vector<2048x1xf32>
    %eq3A_59 = arith.cmpi eq, %get3A_24, %get3A_21 : vector<2048x1xi32>
    %convert_element_type3A_60 = arith.extui %eq3A_59 : vector<2048x1xi1> to vector<2048x1xi32>
    %convert_element_type3A_61 = arith.sitofp %convert_element_type3A_60 : vector<2048x1xi32> to vector<2048x1xf32>
    %add3A_62 = arith.addf %broadcast_in_dim3A_58, %convert_element_type3A_61 : vector<2048x1xf32>
    %eq3A_63 = arith.cmpi eq, %get3A_24, %get3A_24 : vector<2048x1xi32>
    %convert_element_type3A_64 = arith.extui %eq3A_63 : vector<2048x1xi1> to vector<2048x1xi32>
    %convert_element_type3A_65 = arith.sitofp %convert_element_type3A_64 : vector<2048x1xi32> to vector<2048x1xf32>
    %add3A_66 = arith.addf %add3A_62, %convert_element_type3A_65 : vector<2048x1xf32>
    %eq3A_67 = arith.cmpi eq, %get3A_24, %get3A_27 : vector<2048x1xi32>
    %convert_element_type3A_68 = arith.extui %eq3A_67 : vector<2048x1xi1> to vector<2048x1xi32>
    %convert_element_type3A_69 = arith.sitofp %convert_element_type3A_68 : vector<2048x1xi32> to vector<2048x1xf32>
    %add3A_70 = arith.addf %add3A_66, %convert_element_type3A_69 : vector<2048x1xf32>
    %eq3A_71 = arith.cmpi eq, %get3A_24, %get3A_30 : vector<2048x1xi32>
    %convert_element_type3A_72 = arith.extui %eq3A_71 : vector<2048x1xi1> to vector<2048x1xi32>
    %convert_element_type3A_73 = arith.sitofp %convert_element_type3A_72 : vector<2048x1xi32> to vector<2048x1xf32>
    %add3A_74 = arith.addf %add3A_70, %convert_element_type3A_73 : vector<2048x1xf32>
    %mul3A_75 = arith.constant 2.500000e-01 : f32
    %mul3A_76 = vector.broadcast %mul3A_75 : f32 to vector<2048x1xf32>
    %mul3A_77 = arith.mulf %add3A_74, %mul3A_76 : vector<2048x1xf32>
    %add3A_78 = arith.constant 1.000000e-10 : f32
    %add3A_79 = vector.broadcast %add3A_78 : f32 to vector<2048x1xf32>
    %add3A_80 = arith.addf %mul3A_77, %add3A_79 : vector<2048x1xf32>
    %log3A_81 = math.log %add3A_80 : vector<2048x1xf32>
    %mul3A_82 = arith.constant 2.500000e-01 : f32
    %mul3A_83 = vector.broadcast %mul3A_82 : f32 to vector<2048x1xf32>
    %mul3A_84 = arith.mulf %mul3A_83, %log3A_81 : vector<2048x1xf32>
    %sub3A_85 = arith.subf %sub3A_56, %mul3A_84 : vector<2048x1xf32>
    %broadcast_in_dim3A_86 = arith.constant 0.000000e+00 : f32
    %broadcast_in_dim3A_87 = vector.broadcast %broadcast_in_dim3A_86 : f32 to vector<2048x1xf32>
    %eq3A_88 = arith.cmpi eq, %get3A_27, %get3A_21 : vector<2048x1xi32>
    %convert_element_type3A_89 = arith.extui %eq3A_88 : vector<2048x1xi1> to vector<2048x1xi32>
    %convert_element_type3A_90 = arith.sitofp %convert_element_type3A_89 : vector<2048x1xi32> to vector<2048x1xf32>
    %add3A_91 = arith.addf %broadcast_in_dim3A_87, %convert_element_type3A_90 : vector<2048x1xf32>
    %eq3A_92 = arith.cmpi eq, %get3A_27, %get3A_24 : vector<2048x1xi32>
    %convert_element_type3A_93 = arith.extui %eq3A_92 : vector<2048x1xi1> to vector<2048x1xi32>
    %convert_element_type3A_94 = arith.sitofp %convert_element_type3A_93 : vector<2048x1xi32> to vector<2048x1xf32>
    %add3A_95 = arith.addf %add3A_91, %convert_element_type3A_94 : vector<2048x1xf32>
    %eq3A_96 = arith.cmpi eq, %get3A_27, %get3A_27 : vector<2048x1xi32>
    %convert_element_type3A_97 = arith.extui %eq3A_96 : vector<2048x1xi1> to vector<2048x1xi32>
    %convert_element_type3A_98 = arith.sitofp %convert_element_type3A_97 : vector<2048x1xi32> to vector<2048x1xf32>
    %add3A_99 = arith.addf %add3A_95, %convert_element_type3A_98 : vector<2048x1xf32>
    %eq3A_100 = arith.cmpi eq, %get3A_27, %get3A_30 : vector<2048x1xi32>
    %convert_element_type3A_101 = arith.extui %eq3A_100 : vector<2048x1xi1> to vector<2048x1xi32>
    %convert_element_type3A_102 = arith.sitofp %convert_element_type3A_101 : vector<2048x1xi32> to vector<2048x1xf32>
    %add3A_103 = arith.addf %add3A_99, %convert_element_type3A_102 : vector<2048x1xf32>
    %mul3A_104 = arith.constant 2.500000e-01 : f32
    %mul3A_105 = vector.broadcast %mul3A_104 : f32 to vector<2048x1xf32>
    %mul3A_106 = arith.mulf %add3A_103, %mul3A_105 : vector<2048x1xf32>
    %add3A_107 = arith.constant 1.000000e-10 : f32
    %add3A_108 = vector.broadcast %add3A_107 : f32 to vector<2048x1xf32>
    %add3A_109 = arith.addf %mul3A_106, %add3A_108 : vector<2048x1xf32>
    %log3A_110 = math.log %add3A_109 : vector<2048x1xf32>
    %mul3A_111 = arith.constant 2.500000e-01 : f32
    %mul3A_112 = vector.broadcast %mul3A_111 : f32 to vector<2048x1xf32>
    %mul3A_113 = arith.mulf %mul3A_112, %log3A_110 : vector<2048x1xf32>
    %sub3A_114 = arith.subf %sub3A_85, %mul3A_113 : vector<2048x1xf32>
    %broadcast_in_dim3A_115 = arith.constant 0.000000e+00 : f32
    %broadcast_in_dim3A_116 = vector.broadcast %broadcast_in_dim3A_115 : f32 to vector<2048x1xf32>
    %eq3A_117 = arith.cmpi eq, %get3A_30, %get3A_21 : vector<2048x1xi32>
    %convert_element_type3A_118 = arith.extui %eq3A_117 : vector<2048x1xi1> to vector<2048x1xi32>
    %convert_element_type3A_119 = arith.sitofp %convert_element_type3A_118 : vector<2048x1xi32> to vector<2048x1xf32>
    %add3A_120 = arith.addf %broadcast_in_dim3A_116, %convert_element_type3A_119 : vector<2048x1xf32>
    %eq3A_121 = arith.cmpi eq, %get3A_30, %get3A_24 : vector<2048x1xi32>
    %convert_element_type3A_122 = arith.extui %eq3A_121 : vector<2048x1xi1> to vector<2048x1xi32>
    %convert_element_type3A_123 = arith.sitofp %convert_element_type3A_122 : vector<2048x1xi32> to vector<2048x1xf32>
    %add3A_124 = arith.addf %add3A_120, %convert_element_type3A_123 : vector<2048x1xf32>
    %eq3A_125 = arith.cmpi eq, %get3A_30, %get3A_27 : vector<2048x1xi32>
    %convert_element_type3A_126 = arith.extui %eq3A_125 : vector<2048x1xi1> to vector<2048x1xi32>
    %convert_element_type3A_127 = arith.sitofp %convert_element_type3A_126 : vector<2048x1xi32> to vector<2048x1xf32>
    %add3A_128 = arith.addf %add3A_124, %convert_element_type3A_127 : vector<2048x1xf32>
    %eq3A_129 = arith.cmpi eq, %get3A_30, %get3A_30 : vector<2048x1xi32>
    %convert_element_type3A_130 = arith.extui %eq3A_129 : vector<2048x1xi1> to vector<2048x1xi32>
    %convert_element_type3A_131 = arith.sitofp %convert_element_type3A_130 : vector<2048x1xi32> to vector<2048x1xf32>
    %add3A_132 = arith.addf %add3A_128, %convert_element_type3A_131 : vector<2048x1xf32>
    %mul3A_133 = arith.constant 2.500000e-01 : f32
    %mul3A_134 = vector.broadcast %mul3A_133 : f32 to vector<2048x1xf32>
    %mul3A_135 = arith.mulf %add3A_132, %mul3A_134 : vector<2048x1xf32>
    %add3A_136 = arith.constant 1.000000e-10 : f32
    %add3A_137 = vector.broadcast %add3A_136 : f32 to vector<2048x1xf32>
    %add3A_138 = arith.addf %mul3A_135, %add3A_137 : vector<2048x1xf32>
    %log3A_139 = math.log %add3A_138 : vector<2048x1xf32>
    %mul3A_140 = arith.constant 2.500000e-01 : f32
    %mul3A_141 = vector.broadcast %mul3A_140 : f32 to vector<2048x1xf32>
    %mul3A_142 = arith.mulf %mul3A_141, %log3A_139 : vector<2048x1xf32>
    %sub3A_143 = arith.subf %sub3A_114, %mul3A_142 : vector<2048x1xf32>
    %reduce_sum3A = vector.shape_cast %sub3A_143 : vector<2048x1xf32> to vector<1x2048x1xf32>
    %reduce_sum3A_144 = arith.constant dense<0.000000e+00> : vector<1xf32>
    %reduce_sum3A_145 = vector.multi_reduction <add>, %reduce_sum3A, %reduce_sum3A_144 [1, 2] : vector<1x2048x1xf32> to vector<1xf32>
    %reduce_sum3A_146 = vector.shape_cast %reduce_sum3A_145 : vector<1xf32> to vector<1x1x1xf32>
    %reduce_sum3A_147 = vector.extract %reduce_sum3A_146[0, 0, 0] : f32 from vector<1x1x1xf32>
    %sub3A_148 = arith.subf %add3A_12, %get3A_15 : vector<2048x64xf32>
    %mul3A_149 = arith.mulf %sub3A_148, %sub3A_148 : vector<2048x64xf32>
    %reduce_sum3A_150 = vector.shape_cast %mul3A_149 : vector<2048x64xf32> to vector<1x2048x64xf32>
    %reduce_sum3A_151 = arith.constant dense<0.000000e+00> : vector<1xf32>
    %reduce_sum3A_152 = vector.multi_reduction <add>, %reduce_sum3A_150, %reduce_sum3A_151 [1, 2] : vector<1x2048x64xf32> to vector<1xf32>
    %reduce_sum3A_153 = vector.shape_cast %reduce_sum3A_152 : vector<1xf32> to vector<1x1x1xf32>
    %reduce_sum3A_154 = vector.extract %reduce_sum3A_153[0, 0, 0] : f32 from vector<1x1x1xf32>
    %iota3A = tpu.iota {dimensions = array<i32: 1>} : vector<1x128xi32>
    %eq3A_155 = arith.constant 0 : i32
    %eq3A_156 = vector.broadcast %eq3A_155 : i32 to vector<1x128xi32>
    %eq3A_157 = arith.cmpi eq, %iota3A, %eq3A_156 : vector<1x128xi32>
    %eq3A_158 = arith.constant 1 : i32
    %eq3A_159 = vector.broadcast %eq3A_158 : i32 to vector<1x128xi32>
    %eq3A_160 = arith.cmpi eq, %iota3A, %eq3A_159 : vector<1x128xi32>
    %jit3A = arith.constant 0.000000e+00 : f32
    %broadcast_in_dim3A_161 = vector.broadcast %reduce_sum3A_147 : f32 to vector<1x128xf32>
    %broadcast_in_dim3A_162 = vector.broadcast %jit3A : f32 to vector<1x128xf32>
    %select_n3A = arith.select %eq3A_160, %broadcast_in_dim3A_161, %broadcast_in_dim3A_162 : vector<1x128xi1>, vector<1x128xf32>
    %broadcast_in_dim3A_163 = vector.broadcast %reduce_sum3A_154 : f32 to vector<1x128xf32>
    %select_n3A_164 = arith.select %eq3A_157, %broadcast_in_dim3A_163, %select_n3A : vector<1x128xi1>, vector<1x128xf32>
    %reshape3A = vector.shape_cast %select_n3A_164 : vector<1x128xf32> to vector<1x1x128xf32>
    %swap3A_165 = arith.constant 0 : index
    %swap3A_166 = arith.constant 0 : index
    %swap3A_167 = arith.constant 0 : index
    %swap3A_168 = vector.load %arg11[%swap3A_165, %swap3A_166, %swap3A_167] : memref<1x1x128xf32, #tpu.memory_space<vmem>>, vector<1x1x128xf32>
    tpu.vector_store %arg11[%swap3A_165, %swap3A_166, %swap3A_167], %reshape3A {strides = array<i32>} : memref<1x1x128xf32, #tpu.memory_space<vmem>>, vector<1x1x128xf32>,
    return
  }
  func.func @transform_0(%arg0: i32) -> (i32, i32) {
    %c0_i32 = arith.constant 0 : i32
    %c0_i32_0 = arith.constant 0 : i32
    return %arg0, %c0_i32 : i32, i32
  }
  func.func @transform_1(%arg0: i32) -> (i32, i32) {
    %c0_i32 = arith.constant 0 : i32
    %c0_i32_0 = arith.constant 0 : i32
    return %arg0, %c0_i32 : i32, i32
  }
  func.func @transform_2(%arg0: i32) -> (i32, i32) {
    %c0_i32 = arith.constant 0 : i32
    %c0_i32_0 = arith.constant 0 : i32
    return %arg0, %c0_i32 : i32, i32
  }
  func.func @transform_3(%arg0: i32) -> (i32, i32) {
    %c0_i32 = arith.constant 0 : i32
    %c0_i32_0 = arith.constant 0 : i32
    return %arg0, %c0_i32 : i32, i32
  }
  func.func @transform_4(%arg0: i32) -> (i32, i32) {
    %c0_i32 = arith.constant 0 : i32
    %c0_i32_0 = arith.constant 0 : i32
    return %arg0, %c0_i32 : i32, i32
  }
  func.func @transform_5(%arg0: i32) -> (i32, i32) {
    %c0_i32 = arith.constant 0 : i32
    %c0_i32_0 = arith.constant 0 : i32
    return %arg0, %c0_i32 : i32, i32
  }
  func.func @transform_6(%arg0: i32) -> (i32, i32) {
    %c0_i32 = arith.constant 0 : i32
    %c0_i32_0 = arith.constant 0 : i32
    return %arg0, %c0_i32 : i32, i32
  }
  func.func @transform_7(%arg0: i32) -> (i32, i32) {
    %c0_i32 = arith.constant 0 : i32
    %c0_i32_0 = arith.constant 0 : i32
    return %arg0, %c0_i32 : i32, i32
  }
  func.func @transform_8(%arg0: i32) -> (i32, i32) {
    %c0_i32 = arith.constant 0 : i32
    %c0_i32_0 = arith.constant 0 : i32
    return %arg0, %c0_i32 : i32, i32
  }
  func.func @transform_9(%arg0: i32) -> (i32, i32) {
    %c0_i32 = arith.constant 0 : i32
    %c0_i32_0 = arith.constant 0 : i32
    return %arg0, %c0_i32 : i32, i32
  }
  func.func @transform_10(%arg0: i32) -> (i32, i32, i32) {
    %c0_i32 = arith.constant 0 : i32
    %c0_i32_0 = arith.constant 0 : i32
    %c0_i32_1 = arith.constant 0 : i32
    return %arg0, %c0_i32, %c0_i32_0 : i32, i32, i32
  }
}

</mosaic_0001>

<sc_bundles>
// kernel: kernel.11.cloned.1.call-start
scs
__scs_entry_jumppad:
0x0: {  	(pc) =	sbr.rel $0x88, $3  }
0x1: {  	(tag) =	ssettag $0x0;
	lr =	simm.s32 $0x1  }
0x2: {  	[smem:$0x3F9E] =	sst lr;
	_ =	strace $0xD0000000  }
0x3: {  	_ = 	snop  }
0x4: {  	_ = 	snop  }
0x5: {  	_ = 	snop  }
0x6: {  	_ = 	snop  }
0x7: {  	_ = 	snop  }
__scs_overlays_trampoline_lowered:
0x8: {  	[smem:$0x3FAD] =	sst s0  }
0x9: {  	[smem:$0x3FAE] =	sst s1  }
0xa: {  	[smem:$0x3FAF] =	sst s2  }
0xb: {  	[smem:$0x3FB0] =	sst s3  }
0xc: {  	[smem:$0x3FB1] =	sst s4  }
0xd: {  	[smem:$0x3FB2] =	sst s5  }
0xe: {  	[smem:$0x3FB3] =	sst s6  }
0xf: {  	[smem:$0x3FB4] =	sst s7  }
0x10: {  	[smem:$0x3FB5] =	sst s8  }
0x11: {  	[smem:$0x3FB6] =	sst s9;
	s0 =	simm.s32 @!p0 $0x0  }
0x12: {  	s1 =	sld [smem:$0x3F9C];
	s0 =	simm.s32 @p0 $0x1  }
0x13: {  	[smem:$0x3FB7] =	sst s0;
	s0 =	simm.s32 @!p1 $0x0  }
0x14: {  	s2 =	sld [smem:$0x3F9B];
	s0 =	simm.s32 @p1 $0x1  }
0x15: {  	[smem:$0x3FB8] =	sst s0;
	s0 =	simm.s32 @!p2 $0x0  }
0x16: {  	s3 =	sld [smem:$0x3FDB];
	s0 =	simm.s32 @p2 $0x1  }
0x17: {  	s4 =	simm.s32 $0x1BF5;
	[smem:$0x3FBA] =	sst s0  }
0x18: {  	s0 =	sld [smem:$0x3F9D];
	_ =	swait.ge [sflag:s4], $0x0  }
0x19: {  	s7 =	sld [smem:$0x3F9E]  }
0x1a: {  	s8 =	sadd.s32 $0xFFFFE003, lr  }
0x1b: {  	s9 =	sadd.s32 $0xFFFFFEF7, lr;
	s5 =	simm.s32 $0xFFFFFFFF;
	p2 =	slt.u32 s8, $0xFFFFF086  }
0x1c: {  	p1 =	slt.u32 s9, $0xF7A;
	s5 =	simm.s32 @!p2 $0x0  }
0x1d: {  	s5 =	simm.s32 @p1 $0x1;
	p0 =	seq.s32 s7, s2  }
0x1e: {  	s7 =	smul.u32 @!p0 $0xF7A, s2;
	p2 =	seq.s32 @!p0 s5, $0x0  }
0x1f: {  	s9 =	smul.u32 $0xF7A, s1;
	s8 =	simm.s32 @!p0 $0x1BF5;
	p2 =	por !p2, p0  }
0x20: {  	[sflag:s8] =	ssyncset.s32 @!p0 $0xFFFFF086;
	s6 =	sadd.s32 @!p0 s3, s7;
	s7 =	simm.s32 @!p0 $0x108  }
0x21: {  	s3 =	sadd.s32 s3, s9;
	s6 =	sadd.s32 @!p0 $0x88, s6;
	s7 =	simm.s32 @p2 $0x1082  }
0x22: {  	[simem:s7], [sflag:s8] =	dma.local @!p0 [hbm:s6], $0xF7A  }
0x23: {  	s9 =	sor.u32 $0xD0000000, s2;
	s6 =	simm.s32 $0x108;
	_ =	swait.ge @!p0 [sflag:s8], $0x0  }
0x24: {  	s3 =	sadd.s32 $0x88, s3;
	s6 =	simm.s32 @!p1 $0x1082;
	[sflag:s4] =	ssyncset.s32 $0xFFFFF086  }
0x25: {  	[simem:s6], [sflag:s4] =	dma.local [hbm:s3], $0xF7A  }
0x26: {  	[smem:$0x3F9E] =	sst s1;
	(tag) =	ssettag s2;
	_ =	strace s9  }
0x27: {  	s1 =	sld [smem:$0x3FAE]  }
0x28: {  	s2 =	sld [smem:$0x3FAF]  }
0x29: {  	s4 =	sld [smem:$0x3FB1]  }
0x2a: {  	p0 =	seq.s32 s5, $0x0;
	s5 =	sld [smem:$0x3FB2]  }
0x2b: {  	s6 =	sld [smem:$0x3FB3]  }
0x2c: {  	s7 =	sld [smem:$0x3FB4]  }
0x2d: {  	s3 =	simm.s32 $0x108;
	s8 =	sld [smem:$0x3FB5]  }
0x2e: {  	s3 =	simm.s32 @!p0 $0x1082;
	s9 =	sld [smem:$0x3FB6]  }
0x2f: {  	lr =	sadd.s32 s0, s3;
	s0 =	sld [smem:$0x3FAD]  }
0x30: {  	s3 =	sld [smem:$0x3FB0]  }
0x31: {  	[smem:$0x3FB9] =	sst s10  }
0x32: {  	s10 =	sld [smem:$0x3FB7];
	_ =	sdelay $0x3  }
0x33: {  	p0 =	seq.s32 s10, $0x1;
	s10 =	sld [smem:$0x3FB9];
	_ =	sdelay $0x3  }
0x34: {  	[smem:$0x3FB9] =	sst s10  }
0x35: {  	s10 =	sld [smem:$0x3FB8];
	_ =	sdelay $0x3  }
0x36: {  	p1 =	seq.s32 s10, $0x1;
	s10 =	sld [smem:$0x3FB9];
	_ =	sdelay $0x3  }
0x37: {  	[smem:$0x3FB9] =	sst s10  }
0x38: {  	s10 =	sld [smem:$0x3FBA]  }
0x39: {  	_ = 	snop;
	(pc) =	sbr.ind lr, $3  }
0x3a: {  	_ = 	snop  }
0x3b: {  	_ = 	snop  }
0x3c: {  	p2 =	seq.s32 s10, $0x1;
	s10 =	sld [smem:$0x3FB9]  }
0x3d: {  	_ =	shalt  }
0x3e: {  	_ =	shalt  }
0x3f: {  	_ =	shalt  }
0x40: {  	_ =	shalt  }
0x41: {  	_ =	shalt  }
0x42: {  	_ =	shalt  }
0x43: {  	_ =	shalt  }
0x44: {  	_ =	shalt  }
0x45: {  	_ =	shalt  }
0x46: {  	_ =	shalt  }
0x47: {  	_ =	shalt  }
0x48: {  	_ =	shalt  }
0x49: {  	_ =	shalt  }
0x4a: {  	_ =	shalt  }
0x4b: {  	_ =	shalt  }
0x4c: {  	_ =	shalt  }
0x4d: {  	_ =	shalt  }
0x4e: {  	_ =	shalt  }
0x4f: {  	_ =	shalt  }
0x50: {  	_ =	shalt  }
0x51: {  	_ =	shalt  }
0x52: {  	_ =	shalt  }
0x53: {  	_ =	shalt  }
0x54: {  	_ =	shalt  }
0x55: {  	_ =	shalt  }
0x56: {  	_ =	shalt  }
0x57: {  	_ =	shalt  }
0x58: {  	_ =	shalt  }
0x59: {  	_ =	shalt  }
0x5a: {  	_ =	shalt  }
0x5b: {  	_ =	shalt  }
0x5c: {  	_ =	shalt  }
0x5d: {  	_ =	shalt  }
0x5e: {  	_ =	shalt  }
0x5f: {  	_ =	shalt  }
0x60: {  	_ =	shalt  }
0x61: {  	_ =	shalt  }
0x62: {  	_ =	shalt  }
0x63: {  	_ =	shalt  }
0x64: {  	_ =	shalt  }
0x65: {  	_ =	shalt  }
0x66: {  	_ =	shalt  }
0x67: {  	_ =	shalt  }
0x68: {  	_ =	shalt  }
0x69: {  	_ =	shalt  }
0x6a: {  	_ =	shalt  }
0x6b: {  	_ =	shalt  }
0x6c: {  	_ =	shalt  }
0x6d: {  	_ =	shalt  }
0x6e: {  	_ =	shalt  }
0x6f: {  	_ =	shalt  }
0x70: {  	_ =	shalt  }
0x71: {  	_ =	shalt  }
0x72: {  	_ =	shalt  }
0x73: {  	_ =	shalt  }
0x74: {  	_ =	shalt  }
0x75: {  	_ =	shalt  }
0x76: {  	_ =	shalt  }
0x77: {  	_ =	shalt  }
0x78: {  	_ =	shalt  }
0x79: {  	_ =	shalt  }
0x7a: {  	_ =	shalt  }
0x7b: {  	_ =	shalt  }
0x7c: {  	_ =	shalt  }
0x7d: {  	_ =	shalt  }
0x7e: {  	_ =	shalt  }
0x7f: {  	_ =	shalt  }
0x80: {  	_ =	shalt  }
0x81: {  	_ =	shalt  }
0x82: {  	_ =	shalt  }
0x83: {  	_ =	shalt  }
0x84: {  	_ =	shalt  }
0x85: {  	_ =	shalt  }
0x86: {  	_ =	shalt  }
0x87: {  	_ =	shalt  }
.Lfunc_end0:
.L_simem_size_0:
called_computation_lowered:
.L_overlay_start_0:
0x88: {  	s2 =	sld [smem:$0x3FD9]  }
0x89: {  	s3 =	sld [smem:$0x3FFE];
	_ =	sdelay $0x1  }
0x8a: {  	s1 =	srdreg.scid  }
0x8b: {  	s0 =	sand.u32 $0x1, s1  }
0x8c: {  	s14 =	sshll.u32 s0, $0xA;
	s2 =	sadd.s32 s3, s2  }
0x8d: {  	s2 =	sadd.s32 s2, s14  }
0x8e: {  	[smem:$0x3FC5] =	sst s2  }
0x8f: {  	_ = 	snop  }
0x90: {  	s2 =	sld [smem:$0x3FD0];
	_ =	sdelay $0x2  }
0x91: {  	s15 =	simm.s32 $0xA;
	s4 =	simm.s32 $0x10  }
0x92: {  	[smem:s4], [sflag:s15] =	dma.local [hbm:s2], $0x1  }
0x93: {  	_ =	swait.eq [sflag:s15], $0x1  }
0x94: {  	[sflag:s15] =	ssyncset.done $0x0  }
0x95: {  	[sflag:s15] =	ssyncadd.s32 $0xFFFFFFFF  }
0x96: {  	s16 =	sld [smem:$0x11];
	(tm) =	ssettm $0x1  }
0x97: {  	s17 =	sld [smem:$0x3FFB];
	_ =	sdelay $0x3  }
0x98: {  	_ =	strace s17  }
0x99: {  	s3 =	sld [smem:$0x3FFC];
	_ =	sdelay $0x3  }
0x9a: {  	_ =	strace s3  }
0x9b: {  	s3 =	sld [smem:$0x3FFD];
	_ =	sdelay $0x3  }
0x9c: {  	_ =	strace s3  }
0x9d: {  	_ =	strace $0x8FFFFFFF  }
0x9e: {  	s18 =	sld [smem:$0x3FDB];
	_ =	sdelay $0x1  }
0x9f: {  	s19 =	simm.s32 $_scs_section_size  }
0xa0: {  	s5 =	simm.s32 $_size__tile_overlayer_lowered;
	s6 =	simm.s32 $_tile_overlayer_lowered  }
0xa1: {  	s22 =	simm.s32 $0x1BFF;
	s21 =	sshll.u32 s6, $0x1;
	s3 =	sadd.s32 s19, s18  }
0xa2: {  	s7 =	simm.s32 $0x0;
	s20 =	sshll.u32 s5, $0x1;
	s5 =	sadd.s32 s21, s3  }
0xa3: {  	[timem:s7], [sflag:s22] =	dma.local [hbm:s5], s20  }
0xa4: {  	_ =	swait.ge [sflag:s22], s20  }
0xa5: {  	s4 =	ssub.s32 $0x0, s20;
	[sflag:s22] =	ssyncset.done $0x0  }
0xa6: {  	[sflag:s22] =	ssyncadd.s32 s4;
	_ =	sdelay $0x1  }
0xa7: {  	s23 =	simm.s32 $0x1B8B  }
0xa8: {  	_ =	swait.ge [sflag:s23], $0x1  }
0xa9: {  	[sflag:s23] =	ssyncset.done $0x0  }
0xaa: {  	s25 =	simm.s32 $0x1B8E;
	s24 =	sld [smem:$0x3FFE];
	[sflag:s23] =	ssyncadd.s32 $0xFFFFFFFF  }
0xab: {  	s26 =	simm.s32 $execute0_lowered;
	[smem:$0x3FD2] =	sst s25  }
0xac: {  	s5 =	sshll.u32 s26, $0x1;
	_ =	strace $0x80000046;
	[dreg:$0x1] =	wrdreg $0xFFFFFFFF  }
0xad: {  	s28 =	simm.s32 $_size_execute0_lowered;
	s3 =	sadd.s32 s3, s5;
	[dreg:$0x0] =	wrdreg $0x0  }
0xae: {  	s5 =	sshll.u32 s28, $0x1;
	[dreg:$0x2] =	wrdreg s3  }
0xaf: {  	[dreg:$0x3] =	wrdreg s5  }
0xb0: {  	[dreg:$0x4] =	wrdreg $0xC0  }
0xb1: {  	_ =	task [dreg:s7], $0x5FFFF  }
0xb2: {  	[dreg:$0x1] =	wrdreg $0xFFFFFFFF  }
0xb3: {  	[dreg:$0x0] =	wrdreg $0x60  }
0xb4: {  	[dreg:$0x2] =	wrdreg s16  }
0xb5: {  	[dreg:$0x3] =	wrdreg s24  }
0xb6: {  	[dreg:$0x4] =	wrdreg $0x9  }
0xb7: {  	_ =	task.clear_ibuf [dreg:s7], $0x5FFFF;
	_ =	strace $0x90000046  }
0xb8: {  	s29 =	simm.s32 $0x9;
	_ =	strace $0x80000048  }
0xb9: {  	_ =	swait.ge [sflag:s29], $0x1  }
0xba: {  	[sflag:s29] =	ssyncadd.s32 $0xFFFFFFFF  }
0xbb: {  	_ =	strace $0x90000048  }
0xbc: {  	_ =	sfence  }
0xbd: {  	s30 =	sld [smem:$0x0];
	_ =	sdelay $0x2  }
0xbe: {  	s31 =	sshll.u32 s1, $0xD;
	s1 =	sshrl.u32 s1, $0x2  }
0xbf: {  	s3 =	sand.u32 $0x4000, s31;
	s1 =	sadd.s32 s1, s30  }
0xc0: {  	s0 =	sor.u32 s3, s0;
	s1 =	sshll.u32 s1, $0x11  }
0xc1: {  	s0 =	sor.u32 s1, s0  }
0xc2: {  	s0 =	sadd.s32 $0x8F2B, s0  }
0xc3: {  	[sflag:s0] =	ssyncadd.remote.s32 $0x1  }
0xc4: {  	_ =	sfence.sel $0xFFFF  }
0xc5: {  	[dreg:$0x0] =	wrdreg $0xFFFFFFFF;
	(pc) =	sbr.abs _section_cstart, $3  }
0xc6: {  	[dreg:$0x1] =	wrdreg $0xFFFFFFFF  }
0xc7: {  	_ =	task.clear_ibuf [dreg:s7], $0x2FFFF;
	_ =	strace $0x9FFFFFFF  }
0xc8: {  	(tm) =	ssettm $0x7FFFFFFF  }
0xc9: {  	_ =	shalt  }
tec
execute0_lowered:
.L_overlay_start_1:
0x0: {  	(tag) =	ssettag $0x1  }
0x1: {  	s1 =	srdreg.scid;
	s0 =	stileid.u32  }
0x2: {  	s2 =	rddreg [dreg:$0x0];
	s12 =	sand.u32 $0x1, s1;
	s30 =	sshll.u32 s0, $0x1  }
0x3: {  	s14 =	rddreg [dreg:$0x1];
	s15 =	sor.u32 s12, s30  }
0x4: {  	s3 =	simm.s32 $0x0;
	s1 =	rddreg [dreg:$0x2];
	s4 =	sshll.u32 s15, $0x6  }
0x5: {  	[smem:$0x7FF] =	sst s3;
	s4 =	sadd.s32 s4, s14  }
0x6: {  	_ =	strace $0x80000047;
	s5 =	sadd.s32 $0x80E00, s4;
	s4 =	simm.s32 $0x2  }
0x7: {  	[tilespmem:s3], [sflag:$0x2] =	stream.linear.gather [hbm4b:s5+s3], $0x200, $0x38;
	[tilespmem:$0x8200] =	vst v63  }
0x8: {  	_ =	swait.ge [sflag:s4], $0x200  }
0x9: {  	s6 =	simm.s32 $0x80;
	[sflag:s4] =	ssyncset.done $0x0  }
0xa: {  	s7 =	simm.s32 $0x200;
	s8 =	simm.s32 $0x1;
	[sflag:s4] =	ssyncadd.s32 $0xFFFFFE00  }
0xb: {  	[tilespmem:s7], [sflag:$0x1] =	stream.indirect.gather [hbm4b:s2+s6], $0x40, s3, s6, $0xb8;
	[tilespmem:$0x8200] =	vst v63  }
0xc: {  	_ =	swait.ge [sflag:s8], $0x2000  }
0xd: {  	[sflag:s8] =	ssyncset.done $0x0  }
0xe: {  	s9 =	simm.s32 $0x2200;
	[sflag:s8] =	ssyncadd.s32 $0xFFFFE000  }
0xf: {  	[tilespmem:s9], [sflag:$0x1] =	stream.indirect.gather [hbm4b:s2+s6], $0x40, s6, s6, $0xb8;
	[tilespmem:$0x8200] =	vst v63  }
0x10: {  	_ =	swait.ge [sflag:s8], $0x2000  }
0x11: {  	s10 =	simm.s32 $0x100;
	s11 =	simm.s32 $0x4200;
	[sflag:s8] =	ssyncset.done $0x0  }
0x12: {  	s13 =	simm.s32 $0x6200;
	s16 =	ssub.s32 $0x2, s12;
	[sflag:s8] =	ssyncadd.s32 $0xFFFFE000  }
0x13: {  	[tilespmem:s11], [sflag:$0x1] =	stream.indirect.gather [hbm4b:s2+s6], $0x40, s10, s6, $0xb8;
	[tilespmem:$0x8200] =	vst v63  }
0x14: {  	s12 =	simm.s32 $0x180;
	s17 =	sshrl.u32 s16, $0x1;
	_ =	swait.ge [sflag:s8], $0x2000  }
0x15: {  	s15 =	sshll.u32 s15, $0xC;
	s31 =	ssub.s32 s16, s17;
	[sflag:s8] =	ssyncset.done $0x0  }
0x16: {  	s14 =	sadd.s32 s15, s14;
	s15 =	smax.u32 s31, $0x1;
	[sflag:s8] =	ssyncadd.s32 $0xFFFFE000  }
0x17: {  	[tilespmem:s13], [sflag:$0x1] =	stream.indirect.gather [hbm4b:s2+s6], $0x40, s12, s6, $0xb8;
	[tilespmem:$0x8200] =	vst v63  }
0x18: {  	p0 =	sne.s32 s15, $0x1;
	_ =	swait.ge [sflag:s8], $0x2000  }
.Ltmp0:
0x19: {  	[sflag:s8] =	ssyncset.done $0x0;
	(pc) =	sbr.rel @!p0 .LBB2_2-.Ltmp0, $4  }
0x1a: {  	s14 =	sadd.s32 $0x81600, s14;
	[sflag:s8] =	ssyncadd.s32 $0xFFFFE000  }
0x1b: {  	[hbm4b:s14+s3] =	stream.linear.scatter [tilespmem:s7], [sflag:$0x2], $0x8000, $0x38;
	[tilespmem:$0x8200] =	vst v63  }
0x1c: {  	_ =	swait.ge [sflag:s4], $0x8000  }
0x1d: {  	s15 =	sadd.s32 $0xFFFFFFFF, s15;
	[sflag:s4] =	ssyncset.done $0x0  }
.LBB2_1:
0x1e: {  	p0 =	sne.s32 s15, $0x1;
	s15 =	sadd.s32 $0xFFFFFFFF, s15;
	[sflag:s4] =	ssyncadd.s32 $0xFFFF8000  }
0x1f: {  	[tilespmem:s3], [sflag:$0x2] =	stream.linear.gather [hbm4b:s5+s3], $0x200, $0x38;
	[tilespmem:$0x8200] =	vst v63  }
0x20: {  	_ =	swait.ge [sflag:s4], $0x200  }
0x21: {  	[sflag:s4] =	ssyncset.done $0x0  }
0x22: {  	[sflag:s4] =	ssyncadd.s32 $0xFFFFFE00  }
0x23: {  	[tilespmem:s7], [sflag:$0x1] =	stream.indirect.gather [hbm4b:s2+s6], $0x40, s3, s6, $0xb8;
	[tilespmem:$0x8200] =	vst v63  }
0x24: {  	_ =	swait.ge [sflag:s8], $0x2000  }
0x25: {  	[sflag:s8] =	ssyncset.done $0x0  }
0x26: {  	[sflag:s8] =	ssyncadd.s32 $0xFFFFE000  }
0x27: {  	[tilespmem:s9], [sflag:$0x1] =	stream.indirect.gather [hbm4b:s2+s6], $0x40, s6, s6, $0xb8;
	[tilespmem:$0x8200] =	vst v63  }
0x28: {  	_ =	swait.ge [sflag:s8], $0x2000  }
0x29: {  	[sflag:s8] =	ssyncset.done $0x0  }
0x2a: {  	[sflag:s8] =	ssyncadd.s32 $0xFFFFE000  }
0x2b: {  	[tilespmem:s11], [sflag:$0x1] =	stream.indirect.gather [hbm4b:s2+s6], $0x40, s10, s6, $0xb8;
	[tilespmem:$0x8200] =	vst v63  }
0x2c: {  	_ =	swait.ge [sflag:s8], $0x2000  }
0x2d: {  	[sflag:s8] =	ssyncset.done $0x0  }
0x2e: {  	[sflag:s8] =	ssyncadd.s32 $0xFFFFE000  }
0x2f: {  	[tilespmem:s13], [sflag:$0x1] =	stream.indirect.gather [hbm4b:s2+s6], $0x40, s12, s6, $0xb8;
	[tilespmem:$0x8200] =	vst v63  }
0x30: {  	_ =	swait.ge [sflag:s8], $0x2000  }
.Ltmp1:
0x31: {  	[sflag:s8] =	ssyncset.done $0x0;
	(pc) =	sbr.rel @p0 .LBB2_1-.Ltmp1, $4  }
0x32: {  	[sflag:s8] =	ssyncadd.s32 $0xFFFFE000  }
0x33: {  	[hbm4b:s14+s3] =	stream.linear.scatter [tilespmem:s7], [sflag:$0x2], $0x8000, $0x38;
	[tilespmem:$0x8200] =	vst v63  }
0x34: {  	_ =	swait.ge [sflag:s4], $0x8000  }
0x35: {  	[sflag:s4] =	ssyncset.done $0x0  }
.LBB2_2:
0x36: {  	[sflag:s4] =	ssyncadd.s32 $0xFFFF8000  }
0x37: {  	_ =	sfence.sel $0x180000  }
0x38: {  	[bflag:$0x0] =	sbarrier.arrive $0xFFFF  }
0x39: {  	p0 =	sne.s32 s0, $0x0;
	_ =	strace $0x90000047  }
0x3a: {  	s0 =	sadd.s32 @!p0 $0x100000, s1;
	[bflag:$0x2] =	sbarrier.arrive $0xFFFF  }
0x3b: {  	[sflag:s0] =	ssyncadd.tile.s32 @!p0 $0x1;
	_ =	shalt  }
.Lfunc_end2:
_tile_overlayer_lowered:
.L_overlay_start_2:
0x3c: {  	(tag) =	ssettag $0x2  }
0x3d: {  	s0 =	rddreg [dreg:$0x0];
	s2 =	stileid.u32  }
0x3e: {  	s1 =	rddreg [dreg:$0x1];
	p0 =	sne.s32 s2, $0x0  }
0x3f: {  	s3 =	rddreg [dreg:$0x2];
	[bflag:$0x3] =	sbarrier.arrive $0xFFFF;
	s2 =	simm.s32 @!p0 $0x1C02  }
0x40: {  	[timem:s3], [sflag:s2] =	dma.local @!p0 [hbm:s0], s1  }
0x41: {  	s0 =	simm.s32 @!p0 $0x2  }
0x42: {  	_ =	swait.ge @!p0 [sflag:s0], s1  }
0x43: {  	s1 =	ssub.s32 @!p0 $0x0, s1;
	[sflag:s0] =	ssyncset.done @!p0 $0x0  }
0x44: {  	[sflag:s0] =	ssyncadd.s32 @!p0 s1  }
0x45: {  	[bflag:$0x3] =	sbarrier.arrive $0xFFFF  }
0x46: {  	_ =	shalt  }

// kernel: kernel.14.cloned.1.call-start
scs
__scs_entry_jumppad:
0x0: {  	(pc) =	sbr.rel $0x88, $3  }
0x1: {  	(tag) =	ssettag $0x0;
	lr =	simm.s32 $0x1  }
0x2: {  	[smem:$0x3F9E] =	sst lr;
	_ =	strace $0xD0000000  }
0x3: {  	_ = 	snop  }
0x4: {  	_ = 	snop  }
0x5: {  	_ = 	snop  }
0x6: {  	_ = 	snop  }
0x7: {  	_ = 	snop  }
__scs_overlays_trampoline_lowered:
0x8: {  	[smem:$0x3FAD] =	sst s0  }
0x9: {  	[smem:$0x3FAE] =	sst s1  }
0xa: {  	[smem:$0x3FAF] =	sst s2  }
0xb: {  	[smem:$0x3FB0] =	sst s3  }
0xc: {  	[smem:$0x3FB1] =	sst s4  }
0xd: {  	[smem:$0x3FB2] =	sst s5  }
0xe: {  	[smem:$0x3FB3] =	sst s6  }
0xf: {  	[smem:$0x3FB4] =	sst s7  }
0x10: {  	[smem:$0x3FB5] =	sst s8  }
0x11: {  	[smem:$0x3FB6] =	sst s9;
	s0 =	simm.s32 @!p0 $0x0  }
0x12: {  	s1 =	sld [smem:$0x3F9C];
	s0 =	simm.s32 @p0 $0x1  }
0x13: {  	[smem:$0x3FB7] =	sst s0;
	s0 =	simm.s32 @!p1 $0x0  }
0x14: {  	s2 =	sld [smem:$0x3F9B];
	s0 =	simm.s32 @p1 $0x1  }
0x15: {  	[smem:$0x3FB8] =	sst s0;
	s0 =	simm.s32 @!p2 $0x0  }
0x16: {  	s3 =	sld [smem:$0x3FDB];
	s0 =	simm.s32 @p2 $0x1  }
0x17: {  	s4 =	simm.s32 $0x1BF5;
	[smem:$0x3FBA] =	sst s0  }
0x18: {  	s0 =	sld [smem:$0x3F9D];
	_ =	swait.ge [sflag:s4], $0x0  }
0x19: {  	s7 =	sld [smem:$0x3F9E]  }
0x1a: {  	s8 =	sadd.s32 $0xFFFFE003, lr  }
0x1b: {  	s9 =	sadd.s32 $0xFFFFFEF7, lr;
	s5 =	simm.s32 $0xFFFFFFFF;
	p2 =	slt.u32 s8, $0xFFFFF086  }
0x1c: {  	p1 =	slt.u32 s9, $0xF7A;
	s5 =	simm.s32 @!p2 $0x0  }
0x1d: {  	s5 =	simm.s32 @p1 $0x1;
	p0 =	seq.s32 s7, s2  }
0x1e: {  	s7 =	smul.u32 @!p0 $0xF7A, s2;
	p2 =	seq.s32 @!p0 s5, $0x0  }
0x1f: {  	s9 =	smul.u32 $0xF7A, s1;
	s8 =	simm.s32 @!p0 $0x1BF5;
	p2 =	por !p2, p0  }
0x20: {  	[sflag:s8] =	ssyncset.s32 @!p0 $0xFFFFF086;
	s6 =	sadd.s32 @!p0 s3, s7;
	s7 =	simm.s32 @!p0 $0x108  }
0x21: {  	s3 =	sadd.s32 s3, s9;
	s6 =	sadd.s32 @!p0 $0x88, s6;
	s7 =	simm.s32 @p2 $0x1082  }
0x22: {  	[simem:s7], [sflag:s8] =	dma.local @!p0 [hbm:s6], $0xF7A  }
0x23: {  	s9 =	sor.u32 $0xD0000000, s2;
	s6 =	simm.s32 $0x108;
	_ =	swait.ge @!p0 [sflag:s8], $0x0  }
0x24: {  	s3 =	sadd.s32 $0x88, s3;
	s6 =	simm.s32 @!p1 $0x1082;
	[sflag:s4] =	ssyncset.s32 $0xFFFFF086  }
0x25: {  	[simem:s6], [sflag:s4] =	dma.local [hbm:s3], $0xF7A  }
0x26: {  	[smem:$0x3F9E] =	sst s1;
	(tag) =	ssettag s2;
	_ =	strace s9  }
0x27: {  	s1 =	sld [smem:$0x3FAE]  }
0x28: {  	s2 =	sld [smem:$0x3FAF]  }
0x29: {  	s4 =	sld [smem:$0x3FB1]  }
0x2a: {  	p0 =	seq.s32 s5, $0x0;
	s5 =	sld [smem:$0x3FB2]  }
0x2b: {  	s6 =	sld [smem:$0x3FB3]  }
0x2c: {  	s7 =	sld [smem:$0x3FB4]  }
0x2d: {  	s3 =	simm.s32 $0x108;
	s8 =	sld [smem:$0x3FB5]  }
0x2e: {  	s3 =	simm.s32 @!p0 $0x1082;
	s9 =	sld [smem:$0x3FB6]  }
0x2f: {  	lr =	sadd.s32 s0, s3;
	s0 =	sld [smem:$0x3FAD]  }
0x30: {  	s3 =	sld [smem:$0x3FB0]  }
0x31: {  	[smem:$0x3FB9] =	sst s10  }
0x32: {  	s10 =	sld [smem:$0x3FB7];
	_ =	sdelay $0x3  }
0x33: {  	p0 =	seq.s32 s10, $0x1;
	s10 =	sld [smem:$0x3FB9];
	_ =	sdelay $0x3  }
0x34: {  	[smem:$0x3FB9] =	sst s10  }
0x35: {  	s10 =	sld [smem:$0x3FB8];
	_ =	sdelay $0x3  }
0x36: {  	p1 =	seq.s32 s10, $0x1;
	s10 =	sld [smem:$0x3FB9];
	_ =	sdelay $0x3  }
0x37: {  	[smem:$0x3FB9] =	sst s10  }
0x38: {  	s10 =	sld [smem:$0x3FBA]  }
0x39: {  	_ = 	snop;
	(pc) =	sbr.ind lr, $3  }
0x3a: {  	_ = 	snop  }
0x3b: {  	_ = 	snop  }
0x3c: {  	p2 =	seq.s32 s10, $0x1;
	s10 =	sld [smem:$0x3FB9]  }
0x3d: {  	_ =	shalt  }
0x3e: {  	_ =	shalt  }
0x3f: {  	_ =	shalt  }
0x40: {  	_ =	shalt  }
0x41: {  	_ =	shalt  }
0x42: {  	_ =	shalt  }
0x43: {  	_ =	shalt  }
0x44: {  	_ =	shalt  }
0x45: {  	_ =	shalt  }
0x46: {  	_ =	shalt  }
0x47: {  	_ =	shalt  }
0x48: {  	_ =	shalt  }
0x49: {  	_ =	shalt  }
0x4a: {  	_ =	shalt  }
0x4b: {  	_ =	shalt  }
0x4c: {  	_ =	shalt  }
0x4d: {  	_ =	shalt  }
0x4e: {  	_ =	shalt  }
0x4f: {  	_ =	shalt  }
0x50: {  	_ =	shalt  }
0x51: {  	_ =	shalt  }
0x52: {  	_ =	shalt  }
0x53: {  	_ =	shalt  }
0x54: {  	_ =	shalt  }
0x55: {  	_ =	shalt  }
0x56: {  	_ =	shalt  }
0x57: {  	_ =	shalt  }
0x58: {  	_ =	shalt  }
0x59: {  	_ =	shalt  }
0x5a: {  	_ =	shalt  }
0x5b: {  	_ =	shalt  }
0x5c: {  	_ =	shalt  }
0x5d: {  	_ =	shalt  }
0x5e: {  	_ =	shalt  }
0x5f: {  	_ =	shalt  }
0x60: {  	_ =	shalt  }
0x61: {  	_ =	shalt  }
0x62: {  	_ =	shalt  }
0x63: {  	_ =	shalt  }
0x64: {  	_ =	shalt  }
0x65: {  	_ =	shalt  }
0x66: {  	_ =	shalt  }
0x67: {  	_ =	shalt  }
0x68: {  	_ =	shalt  }
0x69: {  	_ =	shalt  }
0x6a: {  	_ =	shalt  }
0x6b: {  	_ =	shalt  }
0x6c: {  	_ =	shalt  }
0x6d: {  	_ =	shalt  }
0x6e: {  	_ =	shalt  }
0x6f: {  	_ =	shalt  }
0x70: {  	_ =	shalt  }
0x71: {  	_ =	shalt  }
0x72: {  	_ =	shalt  }
0x73: {  	_ =	shalt  }
0x74: {  	_ =	shalt  }
0x75: {  	_ =	shalt  }
0x76: {  	_ =	shalt  }
0x77: {  	_ =	shalt  }
0x78: {  	_ =	shalt  }
0x79: {  	_ =	shalt  }
0x7a: {  	_ =	shalt  }
0x7b: {  	_ =	shalt  }
0x7c: {  	_ =	shalt  }
0x7d: {  	_ =	shalt  }
0x7e: {  	_ =	shalt  }
0x7f: {  	_ =	shalt  }
0x80: {  	_ =	shalt  }
0x81: {  	_ =	shalt  }
0x82: {  	_ =	shalt  }
0x83: {  	_ =	shalt  }
0x84: {  	_ =	shalt  }
0x85: {  	_ =	shalt  }
0x86: {  	_ =	shalt  }
0x87: {  	_ =	shalt  }
.Lfunc_end0:
.L_simem_size_0:
called_computation.1_lowered:
.L_overlay_start_0:
0x88: {  	s2 =	sld [smem:$0x3FD9]  }
0x89: {  	s3 =	sld [smem:$0x3FFE];
	_ =	sdelay $0x1  }
0x8a: {  	s1 =	srdreg.scid  }
0x8b: {  	s0 =	sand.u32 $0x1, s1  }
0x8c: {  	s16 =	sshll.u32 s0, $0xA;
	s2 =	sadd.s32 s3, s2  }
0x8d: {  	s2 =	sadd.s32 s2, s16  }
0x8e: {  	[smem:$0x3FC5] =	sst s2  }
0x8f: {  	_ = 	snop  }
0x90: {  	(tm) =	ssettm $0x1  }
0x91: {  	s17 =	sld [smem:$0x3FFB];
	_ =	sdelay $0x3  }
0x92: {  	_ =	strace s17  }
0x93: {  	s2 =	sld [smem:$0x3FFC];
	_ =	sdelay $0x3  }
0x94: {  	_ =	strace s2  }
0x95: {  	s2 =	sld [smem:$0x3FFD];
	_ =	sdelay $0x3  }
0x96: {  	_ =	strace s2  }
0x97: {  	_ =	strace $0x8FFFFFFF  }
0x98: {  	s18 =	sld [smem:$0x3FDB];
	_ =	sdelay $0x1  }
0x99: {  	s19 =	simm.s32 $_scs_section_size  }
0x9a: {  	s4 =	simm.s32 $_size__tile_overlayer_lowered;
	s5 =	simm.s32 $_tile_overlayer_lowered  }
0x9b: {  	s22 =	simm.s32 $0x1BFF;
	s21 =	sshll.u32 s5, $0x1;
	s2 =	sadd.s32 s19, s18  }
0x9c: {  	s6 =	simm.s32 $0x0;
	s20 =	sshll.u32 s4, $0x1;
	s4 =	sadd.s32 s21, s2  }
0x9d: {  	[timem:s6], [sflag:s22] =	dma.local [hbm:s4], s20  }
0x9e: {  	_ =	swait.ge [sflag:s22], s20  }
0x9f: {  	s3 =	ssub.s32 $0x0, s20;
	[sflag:s22] =	ssyncset.done $0x0  }
0xa0: {  	[sflag:s22] =	ssyncadd.s32 s3;
	_ =	sdelay $0x1  }
0xa1: {  	s23 =	simm.s32 $0x1B8B  }
0xa2: {  	_ =	swait.ge [sflag:s23], $0x1  }
0xa3: {  	[sflag:s23] =	ssyncset.done $0x0  }
0xa4: {  	s25 =	simm.s32 $0x1B8E;
	s24 =	sld [smem:$0x3FFE];
	[sflag:s23] =	ssyncadd.s32 $0xFFFFFFFF  }
0xa5: {  	s26 =	simm.s32 $execute0_lowered;
	[smem:$0x3FD2] =	sst s25  }
0xa6: {  	s4 =	sshll.u32 s26, $0x1;
	_ =	strace $0x80000049;
	[dreg:$0x1] =	wrdreg $0xFFFFFFFF  }
0xa7: {  	s28 =	simm.s32 $_size_execute0_lowered;
	s2 =	sadd.s32 s2, s4;
	[dreg:$0x0] =	wrdreg $0x0  }
0xa8: {  	s4 =	sshll.u32 s28, $0x1;
	[dreg:$0x2] =	wrdreg s2  }
0xa9: {  	[dreg:$0x3] =	wrdreg s4  }
0xaa: {  	[dreg:$0x4] =	wrdreg $0xC0  }
0xab: {  	_ =	task [dreg:s6], $0x5FFFF  }
0xac: {  	[dreg:$0x1] =	wrdreg $0xFFFFFFFF  }
0xad: {  	[dreg:$0x0] =	wrdreg $0x60  }
0xae: {  	[dreg:$0x2] =	wrdreg s24  }
0xaf: {  	[dreg:$0x3] =	wrdreg $0x9  }
0xb0: {  	_ =	task.clear_ibuf [dreg:s6], $0x4FFFF;
	_ =	strace $0x90000049  }
0xb1: {  	s29 =	simm.s32 $0x9;
	_ =	strace $0x8000004B  }
0xb2: {  	_ =	swait.ge [sflag:s29], $0x1  }
0xb3: {  	[sflag:s29] =	ssyncadd.s32 $0xFFFFFFFF  }
0xb4: {  	_ =	strace $0x9000004B  }
0xb5: {  	_ =	sfence  }
0xb6: {  	s30 =	sld [smem:$0x0];
	_ =	sdelay $0x2  }
0xb7: {  	s31 =	sshll.u32 s1, $0xD;
	s1 =	sshrl.u32 s1, $0x2  }
0xb8: {  	s3 =	sand.u32 $0x4000, s31;
	s1 =	sadd.s32 s1, s30  }
0xb9: {  	s0 =	sor.u32 s3, s0;
	s1 =	sshll.u32 s1, $0x11  }
0xba: {  	s0 =	sor.u32 s1, s0  }
0xbb: {  	s0 =	sadd.s32 $0x8F2B, s0  }
0xbc: {  	[sflag:s0] =	ssyncadd.remote.s32 $0x1  }
0xbd: {  	_ =	sfence.sel $0xFFFF  }
0xbe: {  	[dreg:$0x0] =	wrdreg $0xFFFFFFFF;
	(pc) =	sbr.abs _section_cstart, $3  }
0xbf: {  	[dreg:$0x1] =	wrdreg $0xFFFFFFFF  }
0xc0: {  	_ =	task.clear_ibuf [dreg:s6], $0x2FFFF;
	_ =	strace $0x9FFFFFFF  }
0xc1: {  	(tm) =	ssettm $0x7FFFFFFF  }
tec
execute0_lowered:
.L_overlay_start_1:
0x0: {  	(tag) =	ssettag $0x1  }
0x1: {  	s1 =	srdreg.scid;
	s0 =	stileid.u32  }
0x2: {  	s12 =	sand.u32 $0x1, s1;
	s30 =	sshll.u32 s0, $0x1  }
0x3: {  	s14 =	rddreg [dreg:$0x0];
	s15 =	sor.u32 s12, s30  }
0x4: {  	s2 =	simm.s32 $0x0;
	s1 =	rddreg [dreg:$0x1];
	s3 =	sshll.u32 s15, $0x6  }
0x5: {  	[smem:$0x7FF] =	sst s2;
	s3 =	sadd.s32 s3, s14  }
0x6: {  	_ =	strace $0x8000004A;
	s4 =	sadd.s32 $0x80E00, s3;
	s3 =	simm.s32 $0x2  }
0x7: {  	[tilespmem:s2], [sflag:$0x2] =	stream.linear.gather [hbm4b:s4+s2], $0x200, $0x38;
	[tilespmem:$0x8200] =	vst v63  }
0x8: {  	_ =	swait.ge [sflag:s3], $0x200  }
0x9: {  	s6 =	simm.s32 $0x80;
	s7 =	simm.s32 $0x200;
	[sflag:s3] =	ssyncset.done $0x0  }
0xa: {  	s8 =	simm.s32 $0x1;
	s5 =	sadd.s32 $0xA1600, s14;
	[sflag:s3] =	ssyncadd.s32 $0xFFFFFE00  }
0xb: {  	[tilespmem:s7], [sflag:$0x1] =	stream.indirect.gather [hbm4b:s5+s6], $0x40, s2, s6, $0xb8;
	[tilespmem:$0x8200] =	vst v63  }
0xc: {  	_ =	swait.ge [sflag:s8], $0x2000  }
0xd: {  	[sflag:s8] =	ssyncset.done $0x0  }
0xe: {  	s9 =	simm.s32 $0x2200;
	[sflag:s8] =	ssyncadd.s32 $0xFFFFE000  }
0xf: {  	[tilespmem:s9], [sflag:$0x1] =	stream.indirect.gather [hbm4b:s5+s6], $0x40, s6, s6, $0xb8;
	[tilespmem:$0x8200] =	vst v63  }
0x10: {  	_ =	swait.ge [sflag:s8], $0x2000  }
0x11: {  	s10 =	simm.s32 $0x100;
	s11 =	simm.s32 $0x4200;
	[sflag:s8] =	ssyncset.done $0x0  }
0x12: {  	s13 =	simm.s32 $0x6200;
	s16 =	ssub.s32 $0x2, s12;
	[sflag:s8] =	ssyncadd.s32 $0xFFFFE000  }
0x13: {  	[tilespmem:s11], [sflag:$0x1] =	stream.indirect.gather [hbm4b:s5+s6], $0x40, s10, s6, $0xb8;
	[tilespmem:$0x8200] =	vst v63  }
0x14: {  	s12 =	simm.s32 $0x180;
	s17 =	sshrl.u32 s16, $0x1;
	_ =	swait.ge [sflag:s8], $0x2000  }
0x15: {  	s15 =	sshll.u32 s15, $0xC;
	s31 =	ssub.s32 s16, s17;
	[sflag:s8] =	ssyncset.done $0x0  }
0x16: {  	s14 =	sadd.s32 s15, s14;
	s15 =	smax.u32 s31, $0x1;
	[sflag:s8] =	ssyncadd.s32 $0xFFFFE000  }
0x17: {  	[tilespmem:s13], [sflag:$0x1] =	stream.indirect.gather [hbm4b:s5+s6], $0x40, s12, s6, $0xb8;
	[tilespmem:$0x8200] =	vst v63  }
0x18: {  	p0 =	sne.s32 s15, $0x1;
	_ =	swait.ge [sflag:s8], $0x2000  }
.Ltmp0:
0x19: {  	[sflag:s8] =	ssyncset.done $0x0;
	(pc) =	sbr.rel @!p0 .LBB2_2-.Ltmp0, $4  }
0x1a: {  	s14 =	sadd.s32 $0x81600, s14;
	[sflag:s8] =	ssyncadd.s32 $0xFFFFE000  }
0x1b: {  	[hbm4b:s14+s2] =	stream.linear.scatter [tilespmem:s7], [sflag:$0x2], $0x8000, $0x38;
	[tilespmem:$0x8200] =	vst v63  }
0x1c: {  	_ =	swait.ge [sflag:s3], $0x8000  }
0x1d: {  	s15 =	sadd.s32 $0xFFFFFFFF, s15;
	[sflag:s3] =	ssyncset.done $0x0  }
.LBB2_1:
0x1e: {  	p0 =	sne.s32 s15, $0x1;
	s15 =	sadd.s32 $0xFFFFFFFF, s15;
	[sflag:s3] =	ssyncadd.s32 $0xFFFF8000  }
0x1f: {  	[tilespmem:s2], [sflag:$0x2] =	stream.linear.gather [hbm4b:s4+s2], $0x200, $0x38;
	[tilespmem:$0x8200] =	vst v63  }
0x20: {  	_ =	swait.ge [sflag:s3], $0x200  }
0x21: {  	[sflag:s3] =	ssyncset.done $0x0  }
0x22: {  	[sflag:s3] =	ssyncadd.s32 $0xFFFFFE00  }
0x23: {  	[tilespmem:s7], [sflag:$0x1] =	stream.indirect.gather [hbm4b:s5+s6], $0x40, s2, s6, $0xb8;
	[tilespmem:$0x8200] =	vst v63  }
0x24: {  	_ =	swait.ge [sflag:s8], $0x2000  }
0x25: {  	[sflag:s8] =	ssyncset.done $0x0  }
0x26: {  	[sflag:s8] =	ssyncadd.s32 $0xFFFFE000  }
0x27: {  	[tilespmem:s9], [sflag:$0x1] =	stream.indirect.gather [hbm4b:s5+s6], $0x40, s6, s6, $0xb8;
	[tilespmem:$0x8200] =	vst v63  }
0x28: {  	_ =	swait.ge [sflag:s8], $0x2000  }
0x29: {  	[sflag:s8] =	ssyncset.done $0x0  }
0x2a: {  	[sflag:s8] =	ssyncadd.s32 $0xFFFFE000  }
0x2b: {  	[tilespmem:s11], [sflag:$0x1] =	stream.indirect.gather [hbm4b:s5+s6], $0x40, s10, s6, $0xb8;
	[tilespmem:$0x8200] =	vst v63  }
0x2c: {  	_ =	swait.ge [sflag:s8], $0x2000  }
0x2d: {  	[sflag:s8] =	ssyncset.done $0x0  }
0x2e: {  	[sflag:s8] =	ssyncadd.s32 $0xFFFFE000  }
0x2f: {  	[tilespmem:s13], [sflag:$0x1] =	stream.indirect.gather [hbm4b:s5+s6], $0x40, s12, s6, $0xb8;
	[tilespmem:$0x8200] =	vst v63  }
0x30: {  	_ =	swait.ge [sflag:s8], $0x2000  }
.Ltmp1:
0x31: {  	[sflag:s8] =	ssyncset.done $0x0;
	(pc) =	sbr.rel @p0 .LBB2_1-.Ltmp1, $4  }
0x32: {  	[sflag:s8] =	ssyncadd.s32 $0xFFFFE000  }
0x33: {  	[hbm4b:s14+s2] =	stream.linear.scatter [tilespmem:s7], [sflag:$0x2], $0x8000, $0x38;
	[tilespmem:$0x8200] =	vst v63  }
0x34: {  	_ =	swait.ge [sflag:s3], $0x8000  }
0x35: {  	[sflag:s3] =	ssyncset.done $0x0  }
.LBB2_2:
0x36: {  	[sflag:s3] =	ssyncadd.s32 $0xFFFF8000  }
0x37: {  	_ =	sfence.sel $0x180000  }
0x38: {  	[bflag:$0x0] =	sbarrier.arrive $0xFFFF  }
0x39: {  	p0 =	sne.s32 s0, $0x0;
	_ =	strace $0x9000004A  }
0x3a: {  	s0 =	sadd.s32 @!p0 $0x100000, s1;
	[bflag:$0x2] =	sbarrier.arrive $0xFFFF  }
0x3b: {  	[sflag:s0] =	ssyncadd.tile.s32 @!p0 $0x1;
	_ =	shalt  }
.Lfunc_end2:
_tile_overlayer_lowered:
.L_overlay_start_2:
0x3c: {  	(tag) =	ssettag $0x2  }
0x3d: {  	s0 =	rddreg [dreg:$0x0];
	s2 =	stileid.u32  }
0x3e: {  	s1 =	rddreg [dreg:$0x1];
	p0 =	sne.s32 s2, $0x0  }
0x3f: {  	s3 =	rddreg [dreg:$0x2];
	[bflag:$0x3] =	sbarrier.arrive $0xFFFF;
	s2 =	simm.s32 @!p0 $0x1C02  }
0x40: {  	[timem:s3], [sflag:s2] =	dma.local @!p0 [hbm:s0], s1  }
0x41: {  	s0 =	simm.s32 @!p0 $0x2  }
0x42: {  	_ =	swait.ge @!p0 [sflag:s0], s1  }
0x43: {  	s1 =	ssub.s32 @!p0 $0x0, s1;
	[sflag:s0] =	ssyncset.done @!p0 $0x0  }
0x44: {  	[sflag:s0] =	ssyncadd.s32 @!p0 s1  }
0x45: {  	[bflag:$0x3] =	sbarrier.arrive $0xFFFF  }
0x46: {  	_ =	shalt  }

// kernel: kernel.17.cloned.1.call-start
scs
__scs_entry_jumppad:
0x0: {  	(pc) =	sbr.rel $0x88, $3  }
0x1: {  	(tag) =	ssettag $0x0;
	lr =	simm.s32 $0x1  }
0x2: {  	[smem:$0x3F9E] =	sst lr;
	_ =	strace $0xD0000000  }
0x3: {  	_ = 	snop  }
0x4: {  	_ = 	snop  }
0x5: {  	_ = 	snop  }
0x6: {  	_ = 	snop  }
0x7: {  	_ = 	snop  }
__scs_overlays_trampoline_lowered:
0x8: {  	[smem:$0x3FAD] =	sst s0  }
0x9: {  	[smem:$0x3FAE] =	sst s1  }
0xa: {  	[smem:$0x3FAF] =	sst s2  }
0xb: {  	[smem:$0x3FB0] =	sst s3  }
0xc: {  	[smem:$0x3FB1] =	sst s4  }
0xd: {  	[smem:$0x3FB2] =	sst s5  }
0xe: {  	[smem:$0x3FB3] =	sst s6  }
0xf: {  	[smem:$0x3FB4] =	sst s7  }
0x10: {  	[smem:$0x3FB5] =	sst s8  }
0x11: {  	[smem:$0x3FB6] =	sst s9;
	s0 =	simm.s32 @!p0 $0x0  }
0x12: {  	s1 =	sld [smem:$0x3F9C];
	s0 =	simm.s32 @p0 $0x1  }
0x13: {  	[smem:$0x3FB7] =	sst s0;
	s0 =	simm.s32 @!p1 $0x0  }
0x14: {  	s2 =	sld [smem:$0x3F9B];
	s0 =	simm.s32 @p1 $0x1  }
0x15: {  	[smem:$0x3FB8] =	sst s0;
	s0 =	simm.s32 @!p2 $0x0  }
0x16: {  	s3 =	sld [smem:$0x3FDB];
	s0 =	simm.s32 @p2 $0x1  }
0x17: {  	s4 =	simm.s32 $0x1BF5;
	[smem:$0x3FBA] =	sst s0  }
0x18: {  	s0 =	sld [smem:$0x3F9D];
	_ =	swait.ge [sflag:s4], $0x0  }
0x19: {  	s7 =	sld [smem:$0x3F9E]  }
0x1a: {  	s8 =	sadd.s32 $0xFFFFE003, lr  }
0x1b: {  	s9 =	sadd.s32 $0xFFFFFEF7, lr;
	s5 =	simm.s32 $0xFFFFFFFF;
	p2 =	slt.u32 s8, $0xFFFFF086  }
0x1c: {  	p1 =	slt.u32 s9, $0xF7A;
	s5 =	simm.s32 @!p2 $0x0  }
0x1d: {  	s5 =	simm.s32 @p1 $0x1;
	p0 =	seq.s32 s7, s2  }
0x1e: {  	s7 =	smul.u32 @!p0 $0xF7A, s2;
	p2 =	seq.s32 @!p0 s5, $0x0  }
0x1f: {  	s9 =	smul.u32 $0xF7A, s1;
	s8 =	simm.s32 @!p0 $0x1BF5;
	p2 =	por !p2, p0  }
0x20: {  	[sflag:s8] =	ssyncset.s32 @!p0 $0xFFFFF086;
	s6 =	sadd.s32 @!p0 s3, s7;
	s7 =	simm.s32 @!p0 $0x108  }
0x21: {  	s3 =	sadd.s32 s3, s9;
	s6 =	sadd.s32 @!p0 $0x88, s6;
	s7 =	simm.s32 @p2 $0x1082  }
0x22: {  	[simem:s7], [sflag:s8] =	dma.local @!p0 [hbm:s6], $0xF7A  }
0x23: {  	s9 =	sor.u32 $0xD0000000, s2;
	s6 =	simm.s32 $0x108;
	_ =	swait.ge @!p0 [sflag:s8], $0x0  }
0x24: {  	s3 =	sadd.s32 $0x88, s3;
	s6 =	simm.s32 @!p1 $0x1082;
	[sflag:s4] =	ssyncset.s32 $0xFFFFF086  }
0x25: {  	[simem:s6], [sflag:s4] =	dma.local [hbm:s3], $0xF7A  }
0x26: {  	[smem:$0x3F9E] =	sst s1;
	(tag) =	ssettag s2;
	_ =	strace s9  }
0x27: {  	s1 =	sld [smem:$0x3FAE]  }
0x28: {  	s2 =	sld [smem:$0x3FAF]  }
0x29: {  	s4 =	sld [smem:$0x3FB1]  }
0x2a: {  	p0 =	seq.s32 s5, $0x0;
	s5 =	sld [smem:$0x3FB2]  }
0x2b: {  	s6 =	sld [smem:$0x3FB3]  }
0x2c: {  	s7 =	sld [smem:$0x3FB4]  }
0x2d: {  	s3 =	simm.s32 $0x108;
	s8 =	sld [smem:$0x3FB5]  }
0x2e: {  	s3 =	simm.s32 @!p0 $0x1082;
	s9 =	sld [smem:$0x3FB6]  }
0x2f: {  	lr =	sadd.s32 s0, s3;
	s0 =	sld [smem:$0x3FAD]  }
0x30: {  	s3 =	sld [smem:$0x3FB0]  }
0x31: {  	[smem:$0x3FB9] =	sst s10  }
0x32: {  	s10 =	sld [smem:$0x3FB7];
	_ =	sdelay $0x3  }
0x33: {  	p0 =	seq.s32 s10, $0x1;
	s10 =	sld [smem:$0x3FB9];
	_ =	sdelay $0x3  }
0x34: {  	[smem:$0x3FB9] =	sst s10  }
0x35: {  	s10 =	sld [smem:$0x3FB8];
	_ =	sdelay $0x3  }
0x36: {  	p1 =	seq.s32 s10, $0x1;
	s10 =	sld [smem:$0x3FB9];
	_ =	sdelay $0x3  }
0x37: {  	[smem:$0x3FB9] =	sst s10  }
0x38: {  	s10 =	sld [smem:$0x3FBA]  }
0x39: {  	_ = 	snop;
	(pc) =	sbr.ind lr, $3  }
0x3a: {  	_ = 	snop  }
0x3b: {  	_ = 	snop  }
0x3c: {  	p2 =	seq.s32 s10, $0x1;
	s10 =	sld [smem:$0x3FB9]  }
0x3d: {  	_ =	shalt  }
0x3e: {  	_ =	shalt  }
0x3f: {  	_ =	shalt  }
0x40: {  	_ =	shalt  }
0x41: {  	_ =	shalt  }
0x42: {  	_ =	shalt  }
0x43: {  	_ =	shalt  }
0x44: {  	_ =	shalt  }
0x45: {  	_ =	shalt  }
0x46: {  	_ =	shalt  }
0x47: {  	_ =	shalt  }
0x48: {  	_ =	shalt  }
0x49: {  	_ =	shalt  }
0x4a: {  	_ =	shalt  }
0x4b: {  	_ =	shalt  }
0x4c: {  	_ =	shalt  }
0x4d: {  	_ =	shalt  }
0x4e: {  	_ =	shalt  }
0x4f: {  	_ =	shalt  }
0x50: {  	_ =	shalt  }
0x51: {  	_ =	shalt  }
0x52: {  	_ =	shalt  }
0x53: {  	_ =	shalt  }
0x54: {  	_ =	shalt  }
0x55: {  	_ =	shalt  }
0x56: {  	_ =	shalt  }
0x57: {  	_ =	shalt  }
0x58: {  	_ =	shalt  }
0x59: {  	_ =	shalt  }
0x5a: {  	_ =	shalt  }
0x5b: {  	_ =	shalt  }
0x5c: {  	_ =	shalt  }
0x5d: {  	_ =	shalt  }
0x5e: {  	_ =	shalt  }
0x5f: {  	_ =	shalt  }
0x60: {  	_ =	shalt  }
0x61: {  	_ =	shalt  }
0x62: {  	_ =	shalt  }
0x63: {  	_ =	shalt  }
0x64: {  	_ =	shalt  }
0x65: {  	_ =	shalt  }
0x66: {  	_ =	shalt  }
0x67: {  	_ =	shalt  }
0x68: {  	_ =	shalt  }
0x69: {  	_ =	shalt  }
0x6a: {  	_ =	shalt  }
0x6b: {  	_ =	shalt  }
0x6c: {  	_ =	shalt  }
0x6d: {  	_ =	shalt  }
0x6e: {  	_ =	shalt  }
0x6f: {  	_ =	shalt  }
0x70: {  	_ =	shalt  }
0x71: {  	_ =	shalt  }
0x72: {  	_ =	shalt  }
0x73: {  	_ =	shalt  }
0x74: {  	_ =	shalt  }
0x75: {  	_ =	shalt  }
0x76: {  	_ =	shalt  }
0x77: {  	_ =	shalt  }
0x78: {  	_ =	shalt  }
0x79: {  	_ =	shalt  }
0x7a: {  	_ =	shalt  }
0x7b: {  	_ =	shalt  }
0x7c: {  	_ =	shalt  }
0x7d: {  	_ =	shalt  }
0x7e: {  	_ =	shalt  }
0x7f: {  	_ =	shalt  }
0x80: {  	_ =	shalt  }
0x81: {  	_ =	shalt  }
0x82: {  	_ =	shalt  }
0x83: {  	_ =	shalt  }
0x84: {  	_ =	shalt  }
0x85: {  	_ =	shalt  }
0x86: {  	_ =	shalt  }
0x87: {  	_ =	shalt  }
.Lfunc_end0:
.L_simem_size_0:
called_computation.2_lowered:
.L_overlay_start_0:
0x88: {  	s2 =	sld [smem:$0x3FD9]  }
0x89: {  	s3 =	sld [smem:$0x3FFE];
	_ =	sdelay $0x1  }
0x8a: {  	s1 =	srdreg.scid  }
0x8b: {  	s0 =	sand.u32 $0x1, s1  }
0x8c: {  	s16 =	sshll.u32 s0, $0xA;
	s2 =	sadd.s32 s3, s2  }
0x8d: {  	s2 =	sadd.s32 s2, s16  }
0x8e: {  	[smem:$0x3FC5] =	sst s2  }
0x8f: {  	_ = 	snop  }
0x90: {  	(tm) =	ssettm $0x1  }
0x91: {  	s17 =	sld [smem:$0x3FFB];
	_ =	sdelay $0x3  }
0x92: {  	_ =	strace s17  }
0x93: {  	s2 =	sld [smem:$0x3FFC];
	_ =	sdelay $0x3  }
0x94: {  	_ =	strace s2  }
0x95: {  	s2 =	sld [smem:$0x3FFD];
	_ =	sdelay $0x3  }
0x96: {  	_ =	strace s2  }
0x97: {  	_ =	strace $0x8FFFFFFF  }
0x98: {  	s18 =	sld [smem:$0x3FDB];
	_ =	sdelay $0x1  }
0x99: {  	s19 =	simm.s32 $_scs_section_size  }
0x9a: {  	s4 =	simm.s32 $_size__tile_overlayer_lowered;
	s5 =	simm.s32 $_tile_overlayer_lowered  }
0x9b: {  	s22 =	simm.s32 $0x1BFF;
	s21 =	sshll.u32 s5, $0x1;
	s2 =	sadd.s32 s19, s18  }
0x9c: {  	s6 =	simm.s32 $0x0;
	s20 =	sshll.u32 s4, $0x1;
	s4 =	sadd.s32 s21, s2  }
0x9d: {  	[timem:s6], [sflag:s22] =	dma.local [hbm:s4], s20  }
0x9e: {  	_ =	swait.ge [sflag:s22], s20  }
0x9f: {  	s3 =	ssub.s32 $0x0, s20;
	[sflag:s22] =	ssyncset.done $0x0  }
0xa0: {  	[sflag:s22] =	ssyncadd.s32 s3;
	_ =	sdelay $0x1  }
0xa1: {  	s23 =	simm.s32 $0x1B8B  }
0xa2: {  	_ =	swait.ge [sflag:s23], $0x1  }
0xa3: {  	[sflag:s23] =	ssyncset.done $0x0  }
0xa4: {  	s25 =	simm.s32 $0x1B8E;
	s24 =	sld [smem:$0x3FFE];
	[sflag:s23] =	ssyncadd.s32 $0xFFFFFFFF  }
0xa5: {  	s26 =	simm.s32 $execute0_lowered;
	[smem:$0x3FD2] =	sst s25  }
0xa6: {  	s4 =	sshll.u32 s26, $0x1;
	_ =	strace $0x8000004C;
	[dreg:$0x1] =	wrdreg $0xFFFFFFFF  }
0xa7: {  	s28 =	simm.s32 $_size_execute0_lowered;
	s2 =	sadd.s32 s2, s4;
	[dreg:$0x0] =	wrdreg $0x0  }
0xa8: {  	s4 =	sshll.u32 s28, $0x1;
	[dreg:$0x2] =	wrdreg s2  }
0xa9: {  	[dreg:$0x3] =	wrdreg s4  }
0xaa: {  	[dreg:$0x4] =	wrdreg $0xC0  }
0xab: {  	_ =	task [dreg:s6], $0x5FFFF  }
0xac: {  	[dreg:$0x1] =	wrdreg $0xFFFFFFFF  }
0xad: {  	[dreg:$0x0] =	wrdreg $0x60  }
0xae: {  	[dreg:$0x2] =	wrdreg s24  }
0xaf: {  	[dreg:$0x3] =	wrdreg $0x9  }
0xb0: {  	_ =	task.clear_ibuf [dreg:s6], $0x4FFFF;
	_ =	strace $0x9000004C  }
0xb1: {  	s29 =	simm.s32 $0x9;
	_ =	strace $0x8000004E  }
0xb2: {  	_ =	swait.ge [sflag:s29], $0x1  }
0xb3: {  	[sflag:s29] =	ssyncadd.s32 $0xFFFFFFFF  }
0xb4: {  	_ =	strace $0x9000004E  }
0xb5: {  	_ =	sfence  }
0xb6: {  	s30 =	sld [smem:$0x0];
	_ =	sdelay $0x2  }
0xb7: {  	s31 =	sshll.u32 s1, $0xD;
	s1 =	sshrl.u32 s1, $0x2  }
0xb8: {  	s3 =	sand.u32 $0x4000, s31;
	s1 =	sadd.s32 s1, s30  }
0xb9: {  	s0 =	sor.u32 s3, s0;
	s1 =	sshll.u32 s1, $0x11  }
0xba: {  	s0 =	sor.u32 s1, s0  }
0xbb: {  	s0 =	sadd.s32 $0x8F2B, s0  }
0xbc: {  	[sflag:s0] =	ssyncadd.remote.s32 $0x1  }
0xbd: {  	_ =	sfence.sel $0xFFFF  }
0xbe: {  	[dreg:$0x0] =	wrdreg $0xFFFFFFFF;
	(pc) =	sbr.abs _section_cstart, $3  }
0xbf: {  	[dreg:$0x1] =	wrdreg $0xFFFFFFFF  }
0xc0: {  	_ =	task.clear_ibuf [dreg:s6], $0x2FFFF;
	_ =	strace $0x9FFFFFFF  }
0xc1: {  	(tm) =	ssettm $0x7FFFFFFF  }
tec
execute0_lowered:
.L_overlay_start_1:
0x0: {  	(tag) =	ssettag $0x1  }
0x1: {  	s1 =	srdreg.scid;
	s0 =	stileid.u32  }
0x2: {  	s12 =	sand.u32 $0x1, s1;
	s30 =	sshll.u32 s0, $0x1  }
0x3: {  	s14 =	rddreg [dreg:$0x0];
	s15 =	sor.u32 s12, s30  }
0x4: {  	s2 =	simm.s32 $0x0;
	s1 =	rddreg [dreg:$0x1];
	s3 =	sshll.u32 s15, $0x6  }
0x5: {  	[smem:$0x7FF] =	sst s2;
	s3 =	sadd.s32 s3, s14  }
0x6: {  	_ =	strace $0x8000004D;
	s4 =	sadd.s32 $0xC0E00, s3;
	s3 =	simm.s32 $0x2  }
0x7: {  	[tilespmem:s2], [sflag:$0x2] =	stream.linear.gather [hbm4b:s4+s2], $0x200, $0x38;
	[tilespmem:$0x8200] =	vst v63  }
0x8: {  	_ =	swait.ge [sflag:s3], $0x200  }
0x9: {  	s6 =	simm.s32 $0x80;
	s7 =	simm.s32 $0x200;
	[sflag:s3] =	ssyncset.done $0x0  }
0xa: {  	s8 =	simm.s32 $0x1;
	s5 =	sadd.s32 $0xE3600, s14;
	[sflag:s3] =	ssyncadd.s32 $0xFFFFFE00  }
0xb: {  	[tilespmem:s7], [sflag:$0x1] =	stream.indirect.gather [hbm4b:s5+s6], $0x40, s2, s6, $0xb8;
	[tilespmem:$0x8200] =	vst v63  }
0xc: {  	_ =	swait.ge [sflag:s8], $0x2000  }
0xd: {  	[sflag:s8] =	ssyncset.done $0x0  }
0xe: {  	s9 =	simm.s32 $0x2200;
	[sflag:s8] =	ssyncadd.s32 $0xFFFFE000  }
0xf: {  	[tilespmem:s9], [sflag:$0x1] =	stream.indirect.gather [hbm4b:s5+s6], $0x40, s6, s6, $0xb8;
	[tilespmem:$0x8200] =	vst v63  }
0x10: {  	_ =	swait.ge [sflag:s8], $0x2000  }
0x11: {  	s10 =	simm.s32 $0x100;
	s11 =	simm.s32 $0x4200;
	[sflag:s8] =	ssyncset.done $0x0  }
0x12: {  	s13 =	simm.s32 $0x6200;
	s16 =	ssub.s32 $0x2, s12;
	[sflag:s8] =	ssyncadd.s32 $0xFFFFE000  }
0x13: {  	[tilespmem:s11], [sflag:$0x1] =	stream.indirect.gather [hbm4b:s5+s6], $0x40, s10, s6, $0xb8;
	[tilespmem:$0x8200] =	vst v63  }
0x14: {  	s12 =	simm.s32 $0x180;
	s17 =	sshrl.u32 s16, $0x1;
	_ =	swait.ge [sflag:s8], $0x2000  }
0x15: {  	s15 =	sshll.u32 s15, $0xC;
	s31 =	ssub.s32 s16, s17;
	[sflag:s8] =	ssyncset.done $0x0  }
0x16: {  	s14 =	sadd.s32 s15, s14;
	s15 =	smax.u32 s31, $0x1;
	[sflag:s8] =	ssyncadd.s32 $0xFFFFE000  }
0x17: {  	[tilespmem:s13], [sflag:$0x1] =	stream.indirect.gather [hbm4b:s5+s6], $0x40, s12, s6, $0xb8;
	[tilespmem:$0x8200] =	vst v63  }
0x18: {  	p0 =	sne.s32 s15, $0x1;
	_ =	swait.ge [sflag:s8], $0x2000  }
.Ltmp0:
0x19: {  	[sflag:s8] =	ssyncset.done $0x0;
	(pc) =	sbr.rel @!p0 .LBB2_2-.Ltmp0, $4  }
0x1a: {  	s14 =	sadd.s32 $0xC1600, s14;
	[sflag:s8] =	ssyncadd.s32 $0xFFFFE000  }
0x1b: {  	[hbm4b:s14+s2] =	stream.linear.scatter [tilespmem:s7], [sflag:$0x2], $0x8000, $0x38;
	[tilespmem:$0x8200] =	vst v63  }
0x1c: {  	_ =	swait.ge [sflag:s3], $0x8000  }
0x1d: {  	s15 =	sadd.s32 $0xFFFFFFFF, s15;
	[sflag:s3] =	ssyncset.done $0x0  }
.LBB2_1:
0x1e: {  	p0 =	sne.s32 s15, $0x1;
	s15 =	sadd.s32 $0xFFFFFFFF, s15;
	[sflag:s3] =	ssyncadd.s32 $0xFFFF8000  }
0x1f: {  	[tilespmem:s2], [sflag:$0x2] =	stream.linear.gather [hbm4b:s4+s2], $0x200, $0x38;
	[tilespmem:$0x8200] =	vst v63  }
0x20: {  	_ =	swait.ge [sflag:s3], $0x200  }
0x21: {  	[sflag:s3] =	ssyncset.done $0x0  }
0x22: {  	[sflag:s3] =	ssyncadd.s32 $0xFFFFFE00  }
0x23: {  	[tilespmem:s7], [sflag:$0x1] =	stream.indirect.gather [hbm4b:s5+s6], $0x40, s2, s6, $0xb8;
	[tilespmem:$0x8200] =	vst v63  }
0x24: {  	_ =	swait.ge [sflag:s8], $0x2000  }
0x25: {  	[sflag:s8] =	ssyncset.done $0x0  }
0x26: {  	[sflag:s8] =	ssyncadd.s32 $0xFFFFE000  }
0x27: {  	[tilespmem:s9], [sflag:$0x1] =	stream.indirect.gather [hbm4b:s5+s6], $0x40, s6, s6, $0xb8;
	[tilespmem:$0x8200] =	vst v63  }
0x28: {  	_ =	swait.ge [sflag:s8], $0x2000  }
0x29: {  	[sflag:s8] =	ssyncset.done $0x0  }
0x2a: {  	[sflag:s8] =	ssyncadd.s32 $0xFFFFE000  }
0x2b: {  	[tilespmem:s11], [sflag:$0x1] =	stream.indirect.gather [hbm4b:s5+s6], $0x40, s10, s6, $0xb8;
	[tilespmem:$0x8200] =	vst v63  }
0x2c: {  	_ =	swait.ge [sflag:s8], $0x2000  }
0x2d: {  	[sflag:s8] =	ssyncset.done $0x0  }
0x2e: {  	[sflag:s8] =	ssyncadd.s32 $0xFFFFE000  }
0x2f: {  	[tilespmem:s13], [sflag:$0x1] =	stream.indirect.gather [hbm4b:s5+s6], $0x40, s12, s6, $0xb8;
	[tilespmem:$0x8200] =	vst v63  }
0x30: {  	_ =	swait.ge [sflag:s8], $0x2000  }
.Ltmp1:
0x31: {  	[sflag:s8] =	ssyncset.done $0x0;
	(pc) =	sbr.rel @p0 .LBB2_1-.Ltmp1, $4  }
0x32: {  	[sflag:s8] =	ssyncadd.s32 $0xFFFFE000  }
0x33: {  	[hbm4b:s14+s2] =	stream.linear.scatter [tilespmem:s7], [sflag:$0x2], $0x8000, $0x38;
	[tilespmem:$0x8200] =	vst v63  }
0x34: {  	_ =	swait.ge [sflag:s3], $0x8000  }
0x35: {  	[sflag:s3] =	ssyncset.done $0x0  }
.LBB2_2:
0x36: {  	[sflag:s3] =	ssyncadd.s32 $0xFFFF8000  }
0x37: {  	_ =	sfence.sel $0x180000  }
0x38: {  	[bflag:$0x0] =	sbarrier.arrive $0xFFFF  }
0x39: {  	p0 =	sne.s32 s0, $0x0;
	_ =	strace $0x9000004D  }
0x3a: {  	s0 =	sadd.s32 @!p0 $0x100000, s1;
	[bflag:$0x2] =	sbarrier.arrive $0xFFFF  }
0x3b: {  	[sflag:s0] =	ssyncadd.tile.s32 @!p0 $0x1;
	_ =	shalt  }
.Lfunc_end2:
_tile_overlayer_lowered:
.L_overlay_start_2:
0x3c: {  	(tag) =	ssettag $0x2  }
0x3d: {  	s0 =	rddreg [dreg:$0x0];
	s2 =	stileid.u32  }
0x3e: {  	s1 =	rddreg [dreg:$0x1];
	p0 =	sne.s32 s2, $0x0  }
0x3f: {  	s3 =	rddreg [dreg:$0x2];
	[bflag:$0x3] =	sbarrier.arrive $0xFFFF;
	s2 =	simm.s32 @!p0 $0x1C02  }
0x40: {  	[timem:s3], [sflag:s2] =	dma.local @!p0 [hbm:s0], s1  }
0x41: {  	s0 =	simm.s32 @!p0 $0x2  }
0x42: {  	_ =	swait.ge @!p0 [sflag:s0], s1  }
0x43: {  	s1 =	ssub.s32 @!p0 $0x0, s1;
	[sflag:s0] =	ssyncset.done @!p0 $0x0  }
0x44: {  	[sflag:s0] =	ssyncadd.s32 @!p0 s1  }
0x45: {  	[bflag:$0x3] =	sbarrier.arrive $0xFFFF  }
0x46: {  	_ =	shalt  }

// kernel: kernel.20.cloned.1.call-start
scs
__scs_entry_jumppad:
0x0: {  	(pc) =	sbr.rel $0x88, $3  }
0x1: {  	(tag) =	ssettag $0x0;
	lr =	simm.s32 $0x1  }
0x2: {  	[smem:$0x3F9E] =	sst lr;
	_ =	strace $0xD0000000  }
0x3: {  	_ = 	snop  }
0x4: {  	_ = 	snop  }
0x5: {  	_ = 	snop  }
0x6: {  	_ = 	snop  }
0x7: {  	_ = 	snop  }
__scs_overlays_trampoline_lowered:
0x8: {  	[smem:$0x3FAD] =	sst s0  }
0x9: {  	[smem:$0x3FAE] =	sst s1  }
0xa: {  	[smem:$0x3FAF] =	sst s2  }
0xb: {  	[smem:$0x3FB0] =	sst s3  }
0xc: {  	[smem:$0x3FB1] =	sst s4  }
0xd: {  	[smem:$0x3FB2] =	sst s5  }
0xe: {  	[smem:$0x3FB3] =	sst s6  }
0xf: {  	[smem:$0x3FB4] =	sst s7  }
0x10: {  	[smem:$0x3FB5] =	sst s8  }
0x11: {  	[smem:$0x3FB6] =	sst s9;
	s0 =	simm.s32 @!p0 $0x0  }
0x12: {  	s1 =	sld [smem:$0x3F9C];
	s0 =	simm.s32 @p0 $0x1  }
0x13: {  	[smem:$0x3FB7] =	sst s0;
	s0 =	simm.s32 @!p1 $0x0  }
0x14: {  	s2 =	sld [smem:$0x3F9B];
	s0 =	simm.s32 @p1 $0x1  }
0x15: {  	[smem:$0x3FB8] =	sst s0;
	s0 =	simm.s32 @!p2 $0x0  }
0x16: {  	s3 =	sld [smem:$0x3FDB];
	s0 =	simm.s32 @p2 $0x1  }
0x17: {  	s4 =	simm.s32 $0x1BF5;
	[smem:$0x3FBA] =	sst s0  }
0x18: {  	s0 =	sld [smem:$0x3F9D];
	_ =	swait.ge [sflag:s4], $0x0  }
0x19: {  	s7 =	sld [smem:$0x3F9E]  }
0x1a: {  	s8 =	sadd.s32 $0xFFFFE003, lr  }
0x1b: {  	s9 =	sadd.s32 $0xFFFFFEF7, lr;
	s5 =	simm.s32 $0xFFFFFFFF;
	p2 =	slt.u32 s8, $0xFFFFF086  }
0x1c: {  	p1 =	slt.u32 s9, $0xF7A;
	s5 =	simm.s32 @!p2 $0x0  }
0x1d: {  	s5 =	simm.s32 @p1 $0x1;
	p0 =	seq.s32 s7, s2  }
0x1e: {  	s7 =	smul.u32 @!p0 $0xF7A, s2;
	p2 =	seq.s32 @!p0 s5, $0x0  }
0x1f: {  	s9 =	smul.u32 $0xF7A, s1;
	s8 =	simm.s32 @!p0 $0x1BF5;
	p2 =	por !p2, p0  }
0x20: {  	[sflag:s8] =	ssyncset.s32 @!p0 $0xFFFFF086;
	s6 =	sadd.s32 @!p0 s3, s7;
	s7 =	simm.s32 @!p0 $0x108  }
0x21: {  	s3 =	sadd.s32 s3, s9;
	s6 =	sadd.s32 @!p0 $0x88, s6;
	s7 =	simm.s32 @p2 $0x1082  }
0x22: {  	[simem:s7], [sflag:s8] =	dma.local @!p0 [hbm:s6], $0xF7A  }
0x23: {  	s9 =	sor.u32 $0xD0000000, s2;
	s6 =	simm.s32 $0x108;
	_ =	swait.ge @!p0 [sflag:s8], $0x0  }
0x24: {  	s3 =	sadd.s32 $0x88, s3;
	s6 =	simm.s32 @!p1 $0x1082;
	[sflag:s4] =	ssyncset.s32 $0xFFFFF086  }
0x25: {  	[simem:s6], [sflag:s4] =	dma.local [hbm:s3], $0xF7A  }
0x26: {  	[smem:$0x3F9E] =	sst s1;
	(tag) =	ssettag s2;
	_ =	strace s9  }
0x27: {  	s1 =	sld [smem:$0x3FAE]  }
0x28: {  	s2 =	sld [smem:$0x3FAF]  }
0x29: {  	s4 =	sld [smem:$0x3FB1]  }
0x2a: {  	p0 =	seq.s32 s5, $0x0;
	s5 =	sld [smem:$0x3FB2]  }
0x2b: {  	s6 =	sld [smem:$0x3FB3]  }
0x2c: {  	s7 =	sld [smem:$0x3FB4]  }
0x2d: {  	s3 =	simm.s32 $0x108;
	s8 =	sld [smem:$0x3FB5]  }
0x2e: {  	s3 =	simm.s32 @!p0 $0x1082;
	s9 =	sld [smem:$0x3FB6]  }
0x2f: {  	lr =	sadd.s32 s0, s3;
	s0 =	sld [smem:$0x3FAD]  }
0x30: {  	s3 =	sld [smem:$0x3FB0]  }
0x31: {  	[smem:$0x3FB9] =	sst s10  }
0x32: {  	s10 =	sld [smem:$0x3FB7];
	_ =	sdelay $0x3  }
0x33: {  	p0 =	seq.s32 s10, $0x1;
	s10 =	sld [smem:$0x3FB9];
	_ =	sdelay $0x3  }
0x34: {  	[smem:$0x3FB9] =	sst s10  }
0x35: {  	s10 =	sld [smem:$0x3FB8];
	_ =	sdelay $0x3  }
0x36: {  	p1 =	seq.s32 s10, $0x1;
	s10 =	sld [smem:$0x3FB9];
	_ =	sdelay $0x3  }
0x37: {  	[smem:$0x3FB9] =	sst s10  }
0x38: {  	s10 =	sld [smem:$0x3FBA]  }
0x39: {  	_ = 	snop;
	(pc) =	sbr.ind lr, $3  }
0x3a: {  	_ = 	snop  }
0x3b: {  	_ = 	snop  }
0x3c: {  	p2 =	seq.s32 s10, $0x1;
	s10 =	sld [smem:$0x3FB9]  }
0x3d: {  	_ =	shalt  }
0x3e: {  	_ =	shalt  }
0x3f: {  	_ =	shalt  }
0x40: {  	_ =	shalt  }
0x41: {  	_ =	shalt  }
0x42: {  	_ =	shalt  }
0x43: {  	_ =	shalt  }
0x44: {  	_ =	shalt  }
0x45: {  	_ =	shalt  }
0x46: {  	_ =	shalt  }
0x47: {  	_ =	shalt  }
0x48: {  	_ =	shalt  }
0x49: {  	_ =	shalt  }
0x4a: {  	_ =	shalt  }
0x4b: {  	_ =	shalt  }
0x4c: {  	_ =	shalt  }
0x4d: {  	_ =	shalt  }
0x4e: {  	_ =	shalt  }
0x4f: {  	_ =	shalt  }
0x50: {  	_ =	shalt  }
0x51: {  	_ =	shalt  }
0x52: {  	_ =	shalt  }
0x53: {  	_ =	shalt  }
0x54: {  	_ =	shalt  }
0x55: {  	_ =	shalt  }
0x56: {  	_ =	shalt  }
0x57: {  	_ =	shalt  }
0x58: {  	_ =	shalt  }
0x59: {  	_ =	shalt  }
0x5a: {  	_ =	shalt  }
0x5b: {  	_ =	shalt  }
0x5c: {  	_ =	shalt  }
0x5d: {  	_ =	shalt  }
0x5e: {  	_ =	shalt  }
0x5f: {  	_ =	shalt  }
0x60: {  	_ =	shalt  }
0x61: {  	_ =	shalt  }
0x62: {  	_ =	shalt  }
0x63: {  	_ =	shalt  }
0x64: {  	_ =	shalt  }
0x65: {  	_ =	shalt  }
0x66: {  	_ =	shalt  }
0x67: {  	_ =	shalt  }
0x68: {  	_ =	shalt  }
0x69: {  	_ =	shalt  }
0x6a: {  	_ =	shalt  }
0x6b: {  	_ =	shalt  }
0x6c: {  	_ =	shalt  }
0x6d: {  	_ =	shalt  }
0x6e: {  	_ =	shalt  }
0x6f: {  	_ =	shalt  }
0x70: {  	_ =	shalt  }
0x71: {  	_ =	shalt  }
0x72: {  	_ =	shalt  }
0x73: {  	_ =	shalt  }
0x74: {  	_ =	shalt  }
0x75: {  	_ =	shalt  }
0x76: {  	_ =	shalt  }
0x77: {  	_ =	shalt  }
0x78: {  	_ =	shalt  }
0x79: {  	_ =	shalt  }
0x7a: {  	_ =	shalt  }
0x7b: {  	_ =	shalt  }
0x7c: {  	_ =	shalt  }
0x7d: {  	_ =	shalt  }
0x7e: {  	_ =	shalt  }
0x7f: {  	_ =	shalt  }
0x80: {  	_ =	shalt  }
0x81: {  	_ =	shalt  }
0x82: {  	_ =	shalt  }
0x83: {  	_ =	shalt  }
0x84: {  	_ =	shalt  }
0x85: {  	_ =	shalt  }
0x86: {  	_ =	shalt  }
0x87: {  	_ =	shalt  }
.Lfunc_end0:
.L_simem_size_0:
called_computation.3_lowered:
.L_overlay_start_0:
0x88: {  	s2 =	sld [smem:$0x3FD9]  }
0x89: {  	s3 =	sld [smem:$0x3FFE];
	_ =	sdelay $0x1  }
0x8a: {  	s1 =	srdreg.scid  }
0x8b: {  	s0 =	sand.u32 $0x1, s1  }
0x8c: {  	s16 =	sshll.u32 s0, $0xA;
	s2 =	sadd.s32 s3, s2  }
0x8d: {  	s2 =	sadd.s32 s2, s16  }
0x8e: {  	[smem:$0x3FC5] =	sst s2  }
0x8f: {  	_ = 	snop  }
0x90: {  	(tm) =	ssettm $0x1  }
0x91: {  	s17 =	sld [smem:$0x3FFB];
	_ =	sdelay $0x3  }
0x92: {  	_ =	strace s17  }
0x93: {  	s2 =	sld [smem:$0x3FFC];
	_ =	sdelay $0x3  }
0x94: {  	_ =	strace s2  }
0x95: {  	s2 =	sld [smem:$0x3FFD];
	_ =	sdelay $0x3  }
0x96: {  	_ =	strace s2  }
0x97: {  	_ =	strace $0x8FFFFFFF  }
0x98: {  	s18 =	sld [smem:$0x3FDB];
	_ =	sdelay $0x1  }
0x99: {  	s19 =	simm.s32 $_scs_section_size  }
0x9a: {  	s4 =	simm.s32 $_size__tile_overlayer_lowered;
	s5 =	simm.s32 $_tile_overlayer_lowered  }
0x9b: {  	s22 =	simm.s32 $0x1BFF;
	s21 =	sshll.u32 s5, $0x1;
	s2 =	sadd.s32 s19, s18  }
0x9c: {  	s6 =	simm.s32 $0x0;
	s20 =	sshll.u32 s4, $0x1;
	s4 =	sadd.s32 s21, s2  }
0x9d: {  	[timem:s6], [sflag:s22] =	dma.local [hbm:s4], s20  }
0x9e: {  	_ =	swait.ge [sflag:s22], s20  }
0x9f: {  	s3 =	ssub.s32 $0x0, s20;
	[sflag:s22] =	ssyncset.done $0x0  }
0xa0: {  	[sflag:s22] =	ssyncadd.s32 s3;
	_ =	sdelay $0x1  }
0xa1: {  	s23 =	simm.s32 $0x1B8B  }
0xa2: {  	_ =	swait.ge [sflag:s23], $0x1  }
0xa3: {  	[sflag:s23] =	ssyncset.done $0x0  }
0xa4: {  	s25 =	simm.s32 $0x1B8E;
	s24 =	sld [smem:$0x3FFE];
	[sflag:s23] =	ssyncadd.s32 $0xFFFFFFFF  }
0xa5: {  	s26 =	simm.s32 $execute0_lowered;
	[smem:$0x3FD2] =	sst s25  }
0xa6: {  	s4 =	sshll.u32 s26, $0x1;
	_ =	strace $0x8000004F;
	[dreg:$0x1] =	wrdreg $0xFFFFFFFF  }
0xa7: {  	s28 =	simm.s32 $_size_execute0_lowered;
	s2 =	sadd.s32 s2, s4;
	[dreg:$0x0] =	wrdreg $0x0  }
0xa8: {  	s4 =	sshll.u32 s28, $0x1;
	[dreg:$0x2] =	wrdreg s2  }
0xa9: {  	[dreg:$0x3] =	wrdreg s4  }
0xaa: {  	[dreg:$0x4] =	wrdreg $0xC0  }
0xab: {  	_ =	task [dreg:s6], $0x5FFFF  }
0xac: {  	[dreg:$0x1] =	wrdreg $0xFFFFFFFF  }
0xad: {  	[dreg:$0x0] =	wrdreg $0x60  }
0xae: {  	[dreg:$0x2] =	wrdreg s24  }
0xaf: {  	[dreg:$0x3] =	wrdreg $0x9  }
0xb0: {  	_ =	task.clear_ibuf [dreg:s6], $0x4FFFF;
	_ =	strace $0x9000004F  }
0xb1: {  	s29 =	simm.s32 $0x9;
	_ =	strace $0x80000051  }
0xb2: {  	_ =	swait.ge [sflag:s29], $0x1  }
0xb3: {  	[sflag:s29] =	ssyncadd.s32 $0xFFFFFFFF  }
0xb4: {  	_ =	strace $0x90000051  }
0xb5: {  	_ =	sfence  }
0xb6: {  	s30 =	sld [smem:$0x0];
	_ =	sdelay $0x2  }
0xb7: {  	s31 =	sshll.u32 s1, $0xD;
	s1 =	sshrl.u32 s1, $0x2  }
0xb8: {  	s3 =	sand.u32 $0x4000, s31;
	s1 =	sadd.s32 s1, s30  }
0xb9: {  	s0 =	sor.u32 s3, s0;
	s1 =	sshll.u32 s1, $0x11  }
0xba: {  	s0 =	sor.u32 s1, s0  }
0xbb: {  	s0 =	sadd.s32 $0x8F2B, s0  }
0xbc: {  	[sflag:s0] =	ssyncadd.remote.s32 $0x1  }
0xbd: {  	_ =	sfence.sel $0xFFFF  }
0xbe: {  	[dreg:$0x0] =	wrdreg $0xFFFFFFFF;
	(pc) =	sbr.abs _section_cstart, $3  }
0xbf: {  	[dreg:$0x1] =	wrdreg $0xFFFFFFFF  }
0xc0: {  	_ =	task.clear_ibuf [dreg:s6], $0x2FFFF;
	_ =	strace $0x9FFFFFFF  }
0xc1: {  	(tm) =	ssettm $0x7FFFFFFF  }
tec
execute0_lowered:
.L_overlay_start_1:
0x0: {  	(tag) =	ssettag $0x1  }
0x1: {  	s1 =	srdreg.scid;
	s0 =	stileid.u32  }
0x2: {  	s12 =	sand.u32 $0x1, s1;
	s30 =	sshll.u32 s0, $0x1  }
0x3: {  	s14 =	rddreg [dreg:$0x0];
	s15 =	sor.u32 s12, s30  }
0x4: {  	s2 =	simm.s32 $0x0;
	s1 =	rddreg [dreg:$0x1];
	s3 =	sshll.u32 s15, $0x6  }
0x5: {  	[smem:$0x7FF] =	sst s2;
	s3 =	sadd.s32 s3, s14  }
0x6: {  	_ =	strace $0x80000050;
	s4 =	sadd.s32 $0xE3600, s3;
	s3 =	simm.s32 $0x2  }
0x7: {  	[tilespmem:s2], [sflag:$0x2] =	stream.linear.gather [hbm4b:s4+s2], $0x200, $0x38;
	[tilespmem:$0x8200] =	vst v63  }
0x8: {  	_ =	swait.ge [sflag:s3], $0x200  }
0x9: {  	s6 =	simm.s32 $0x80;
	s7 =	simm.s32 $0x200;
	[sflag:s3] =	ssyncset.done $0x0  }
0xa: {  	s8 =	simm.s32 $0x1;
	s5 =	sadd.s32 $0xE1600, s14;
	[sflag:s3] =	ssyncadd.s32 $0xFFFFFE00  }
0xb: {  	[tilespmem:s7], [sflag:$0x1] =	stream.indirect.gather [hbm4b:s5+s6], $0x40, s2, s6, $0xb8;
	[tilespmem:$0x8200] =	vst v63  }
0xc: {  	_ =	swait.ge [sflag:s8], $0x2000  }
0xd: {  	[sflag:s8] =	ssyncset.done $0x0  }
0xe: {  	s9 =	simm.s32 $0x2200;
	[sflag:s8] =	ssyncadd.s32 $0xFFFFE000  }
0xf: {  	[tilespmem:s9], [sflag:$0x1] =	stream.indirect.gather [hbm4b:s5+s6], $0x40, s6, s6, $0xb8;
	[tilespmem:$0x8200] =	vst v63  }
0x10: {  	_ =	swait.ge [sflag:s8], $0x2000  }
0x11: {  	s10 =	simm.s32 $0x100;
	s11 =	simm.s32 $0x4200;
	[sflag:s8] =	ssyncset.done $0x0  }
0x12: {  	s13 =	simm.s32 $0x6200;
	s16 =	ssub.s32 $0x2, s12;
	[sflag:s8] =	ssyncadd.s32 $0xFFFFE000  }
0x13: {  	[tilespmem:s11], [sflag:$0x1] =	stream.indirect.gather [hbm4b:s5+s6], $0x40, s10, s6, $0xb8;
	[tilespmem:$0x8200] =	vst v63  }
0x14: {  	s12 =	simm.s32 $0x180;
	s17 =	sshrl.u32 s16, $0x1;
	_ =	swait.ge [sflag:s8], $0x2000  }
0x15: {  	s15 =	sshll.u32 s15, $0xC;
	s31 =	ssub.s32 s16, s17;
	[sflag:s8] =	ssyncset.done $0x0  }
0x16: {  	s14 =	sadd.s32 s15, s14;
	s15 =	smax.u32 s31, $0x1;
	[sflag:s8] =	ssyncadd.s32 $0xFFFFE000  }
0x17: {  	[tilespmem:s13], [sflag:$0x1] =	stream.indirect.gather [hbm4b:s5+s6], $0x40, s12, s6, $0xb8;
	[tilespmem:$0x8200] =	vst v63  }
0x18: {  	p0 =	sne.s32 s15, $0x1;
	_ =	swait.ge [sflag:s8], $0x2000  }
.Ltmp0:
0x19: {  	[sflag:s8] =	ssyncset.done $0x0;
	(pc) =	sbr.rel @!p0 .LBB2_2-.Ltmp0, $4  }
0x1a: {  	s14 =	sadd.s32 $0xC0E00, s14;
	[sflag:s8] =	ssyncadd.s32 $0xFFFFE000  }
0x1b: {  	[hbm4b:s14+s2] =	stream.linear.scatter [tilespmem:s7], [sflag:$0x2], $0x8000, $0x38;
	[tilespmem:$0x8200] =	vst v63  }
0x1c: {  	_ =	swait.ge [sflag:s3], $0x8000  }
0x1d: {  	s15 =	sadd.s32 $0xFFFFFFFF, s15;
	[sflag:s3] =	ssyncset.done $0x0  }
.LBB2_1:
0x1e: {  	p0 =	sne.s32 s15, $0x1;
	s15 =	sadd.s32 $0xFFFFFFFF, s15;
	[sflag:s3] =	ssyncadd.s32 $0xFFFF8000  }
0x1f: {  	[tilespmem:s2], [sflag:$0x2] =	stream.linear.gather [hbm4b:s4+s2], $0x200, $0x38;
	[tilespmem:$0x8200] =	vst v63  }
0x20: {  	_ =	swait.ge [sflag:s3], $0x200  }
0x21: {  	[sflag:s3] =	ssyncset.done $0x0  }
0x22: {  	[sflag:s3] =	ssyncadd.s32 $0xFFFFFE00  }
0x23: {  	[tilespmem:s7], [sflag:$0x1] =	stream.indirect.gather [hbm4b:s5+s6], $0x40, s2, s6, $0xb8;
	[tilespmem:$0x8200] =	vst v63  }
0x24: {  	_ =	swait.ge [sflag:s8], $0x2000  }
0x25: {  	[sflag:s8] =	ssyncset.done $0x0  }
0x26: {  	[sflag:s8] =	ssyncadd.s32 $0xFFFFE000  }
0x27: {  	[tilespmem:s9], [sflag:$0x1] =	stream.indirect.gather [hbm4b:s5+s6], $0x40, s6, s6, $0xb8;
	[tilespmem:$0x8200] =	vst v63  }
0x28: {  	_ =	swait.ge [sflag:s8], $0x2000  }
0x29: {  	[sflag:s8] =	ssyncset.done $0x0  }
0x2a: {  	[sflag:s8] =	ssyncadd.s32 $0xFFFFE000  }
0x2b: {  	[tilespmem:s11], [sflag:$0x1] =	stream.indirect.gather [hbm4b:s5+s6], $0x40, s10, s6, $0xb8;
	[tilespmem:$0x8200] =	vst v63  }
0x2c: {  	_ =	swait.ge [sflag:s8], $0x2000  }
0x2d: {  	[sflag:s8] =	ssyncset.done $0x0  }
0x2e: {  	[sflag:s8] =	ssyncadd.s32 $0xFFFFE000  }
0x2f: {  	[tilespmem:s13], [sflag:$0x1] =	stream.indirect.gather [hbm4b:s5+s6], $0x40, s12, s6, $0xb8;
	[tilespmem:$0x8200] =	vst v63  }
0x30: {  	_ =	swait.ge [sflag:s8], $0x2000  }
.Ltmp1:
0x31: {  	[sflag:s8] =	ssyncset.done $0x0;
	(pc) =	sbr.rel @p0 .LBB2_1-.Ltmp1, $4  }
0x32: {  	[sflag:s8] =	ssyncadd.s32 $0xFFFFE000  }
0x33: {  	[hbm4b:s14+s2] =	stream.linear.scatter [tilespmem:s7], [sflag:$0x2], $0x8000, $0x38;
	[tilespmem:$0x8200] =	vst v63  }
0x34: {  	_ =	swait.ge [sflag:s3], $0x8000  }
0x35: {  	[sflag:s3] =	ssyncset.done $0x0  }
.LBB2_2:
0x36: {  	[sflag:s3] =	ssyncadd.s32 $0xFFFF8000  }
0x37: {  	_ =	sfence.sel $0x180000  }
0x38: {  	[bflag:$0x0] =	sbarrier.arrive $0xFFFF  }
0x39: {  	p0 =	sne.s32 s0, $0x0;
	_ =	strace $0x90000050  }
0x3a: {  	s0 =	sadd.s32 @!p0 $0x100000, s1;
	[bflag:$0x2] =	sbarrier.arrive $0xFFFF  }
0x3b: {  	[sflag:s0] =	ssyncadd.tile.s32 @!p0 $0x1;
	_ =	shalt  }
.Lfunc_end2:
_tile_overlayer_lowered:
.L_overlay_start_2:
0x3c: {  	(tag) =	ssettag $0x2  }
0x3d: {  	s0 =	rddreg [dreg:$0x0];
	s2 =	stileid.u32  }
0x3e: {  	s1 =	rddreg [dreg:$0x1];
	p0 =	sne.s32 s2, $0x0  }
0x3f: {  	s3 =	rddreg [dreg:$0x2];
	[bflag:$0x3] =	sbarrier.arrive $0xFFFF;
	s2 =	simm.s32 @!p0 $0x1C02  }
0x40: {  	[timem:s3], [sflag:s2] =	dma.local @!p0 [hbm:s0], s1  }
0x41: {  	s0 =	simm.s32 @!p0 $0x2  }
0x42: {  	_ =	swait.ge @!p0 [sflag:s0], s1  }
0x43: {  	s1 =	ssub.s32 @!p0 $0x0, s1;
	[sflag:s0] =	ssyncset.done @!p0 $0x0  }
0x44: {  	[sflag:s0] =	ssyncadd.s32 @!p0 s1  }
0x45: {  	[bflag:$0x3] =	sbarrier.arrive $0xFFFF  }
0x46: {  	_ =	shalt  }

</sc_bundles>
